<compile_context>
chip_gen: v7x
topology: tpu7x:2x2x1
jax: 0.10.2.dev20260603
libtpu: 0.0.44.dev20260713+nightly
codegen_flags: <defaults>
</compile_context>

<pallas_src>
import functools

import jax
import jax.numpy as jnp
from jax import lax
from jax.experimental import pallas as pl
from jax.experimental.pallas import tpu as pltpu
from jax.experimental.pallas import tpu_sc as plsc

VOCAB = 100000
BATCH = 1024
SEQLEN = 200
SEQP = 208
LANES = 16
NUM_CORES = 2
NUM_SUBCORES = 16
NW = NUM_CORES * NUM_SUBCORES
CPW = BATCH // NW
CHUNKS = SEQP // LANES
TAB = VOCAB + LANES


def _sc_body(text_hbm, w_hbm, b_hbm, out_hbm,
             tok_v, tab_v, w_v, b_v, out_v):
    wid = lax.axis_index("s") * NUM_CORES + lax.axis_index("c")
    base = wid * CPW

    pltpu.sync_copy(text_hbm.at[pl.ds(base * SEQP, CPW * SEQP)], tok_v)
    pltpu.sync_copy(w_hbm.at[pl.ds(0, LANES)], w_v)
    pltpu.sync_copy(b_hbm, b_v)

    iota = lax.iota(jnp.int32, LANES)

    def col_body(j, nv):
        cbase = j * SEQP
        toks, tags = [], []
        for k in range(CHUNKS):
            tok = tok_v[pl.ds(cbase + k * LANES, LANES)]
            tag = cbase + k * LANES + iota
            toks.append(tok)
            tags.append(tag)
            plsc.store_scatter(tab_v, [tok], tag)
        cnt = jnp.zeros((LANES,), jnp.int32)
        for k in range(CHUNKS):
            q = plsc.load_gather(tab_v, [toks[k]])
            cnt = cnt + jnp.where(q == tags[k], 1, 0).astype(jnp.int32)
        n = jnp.sum(cnt) - (SEQP - SEQLEN)
        upd = jnp.where(iota == j % LANES, n, 0).astype(jnp.int32)
        zero = jnp.zeros((LANES,), jnp.int32)
        in_lo = j < LANES
        nv0 = nv[0] + jnp.where(in_lo, upd, zero)
        nv1 = nv[1] + jnp.where(in_lo, zero, upd)
        return (nv0, nv1)

    zero16 = jnp.zeros((LANES,), jnp.int32)
    nvecs = lax.fori_loop(0, CPW, col_body, (zero16, zero16))

    wvec = w_v[...]
    w0 = jnp.full((LANES,), wvec[0], jnp.float32)
    w1 = jnp.full((LANES,), wvec[1], jnp.float32)
    bv = b_v[...]
    for g in range(CPW // LANES):
        nvec = nvecs[g].astype(jnp.float32)
        y = nvec * w1 + (jnp.float32(VOCAB) - nvec) * w0 + bv
        ge = jnp.where(y >= 0.0, 1.0, 0.0).astype(jnp.float32)
        out_v[pl.ds(g * LANES, LANES)] = ge
        out_v[pl.ds(CPW + g * LANES, LANES)] = 1.0 - ge

    pltpu.sync_copy(out_v.at[pl.ds(0, CPW)], out_hbm.at[pl.ds(base, CPW)])
    pltpu.sync_copy(out_v.at[pl.ds(CPW, CPW)],
                    out_hbm.at[pl.ds(BATCH + base, CPW)])


@functools.cache
def _sc_kernel():
    return pl.kernel(
        _sc_body,
        mesh=plsc.VectorSubcoreMesh(core_axis_name="c", subcore_axis_name="s"),
        compiler_params=pltpu.CompilerParams(needs_layout_passes=False),
        out_type=jax.ShapeDtypeStruct((2 * BATCH,), jnp.float32),
        scratch_types=[
            pltpu.VMEM((CPW * SEQP,), jnp.int32),
            pltpu.VMEM((TAB,), jnp.int32),
            pltpu.VMEM((LANES,), jnp.float32),
            pltpu.VMEM((LANES,), jnp.float32),
            pltpu.VMEM((2 * CPW,), jnp.float32),
        ],
    )


def kernel(text, W, b):
    text_t = jnp.transpose(text).astype(jnp.int32)
    pad = jnp.broadcast_to(
        jnp.arange(VOCAB, VOCAB + (SEQP - SEQLEN), dtype=jnp.int32)[None, :],
        (BATCH, SEQP - SEQLEN))
    text_flat = jnp.concatenate([text_t, pad], axis=1).reshape(-1)
    b_vec = jnp.full((LANES,), b, jnp.float32)
    out_flat = _sc_kernel()(text_flat, W.astype(jnp.float32), b_vec)
    return out_flat.reshape(2, BATCH).astype(jnp.bool_)

# --- scband reference (transcript-rebuilt; emitter-appended) ---
"""Pipeline reference for scband-naive-bayes-model-6889127543221 (READ-ONLY COPY).

The authoritative reference and input builder live on the scoring server;
editing this copy changes nothing except your own understanding.
"""

import jax, jax.numpy as jnp
import numpy as np

VOCAB = 100000
BATCH = 1024
SEQLEN = 200


def setup_inputs(seed: int = 0) -> dict:
    key = jax.random.key(seed)
    k1, k2 = jax.random.split(key, 2)
    # token indices, values in [0, VOCAB)
    text = jax.random.randint(k1, (SEQLEN, BATCH), 0, VOCAB, dtype=jnp.int32)
    # learned naive-Bayes log-ratio weights r = log(p/sum p) - log(q/sum q), shape [vocab]
    W = jax.random.normal(k2, (VOCAB,), dtype=jnp.float32) * 0.02
    # learned bias b = log(N_p / N_m), scalar
    b = jnp.float32(0.1)
    return {"text": text, "W": W, "b": b}


def reference(text, W, b):
    # convertToX: scatter ones along vocab dim -> binary bag-of-words x[vocab, batch]
    seqlen, batch = text.shape
    vocab = W.shape[0]
    bidx = jnp.broadcast_to(jnp.arange(batch)[None, :], text.shape)
    x = jnp.zeros((vocab, batch), dtype=jnp.float32)
    x = x.at[text, bidx].set(1.0)  # scatter-overwrite, matches torch scatter_
    # predict: W.index_select('vocab', x.long()) -> gather W at 0/1 indices, shape [vocab, batch]
    sel = jnp.take(W, x.astype(jnp.int32), axis=0)
    y_ = sel.sum(axis=0) + b  # sum over vocab dim -> [batch]
    # y = stack([y_ >= 0, y_ < 0], 'classes')
    y = jnp.stack([y_ >= 0, y_ < 0], axis=0)
    return y

if __name__ == "__main__":
    import jax
    _d = setup_inputs()
    print(jax.jit(kernel)(*tuple(_d.values())))

</pallas_src>

<mosaic_0001>
#map = affine_map<(d0, d1) -> (0)>
module attributes {stable_mosaic.version = 14 : i64} {
  func.func @_sc_body(%arg0: i32, %arg1: i32, %arg2: memref<212992xi32, #tpu.memory_space<hbm>>, %arg3: memref<100000xf32, #tpu.memory_space<hbm>>, %arg4: memref<16xf32, #tpu.memory_space<hbm>>, %arg5: memref<2048xf32, #tpu.memory_space<hbm>>, %arg6: memref<6656xi32, #tpu.memory_space<vmem>>, %arg7: memref<100016xi32, #tpu.memory_space<vmem>>, %arg8: memref<16xf32, #tpu.memory_space<vmem>>, %arg9: memref<16xf32, #tpu.memory_space<vmem>>, %arg10: memref<64xf32, #tpu.memory_space<vmem>>) attributes {dimension_semantics = [#tpu.dimension_semantics<core_parallel>, #tpu.dimension_semantics<subcore_parallel>], iteration_bounds = array<i64: 2, 16>, scalar_prefetch = 0 : i64, scratch_operands = 5 : i64, tpu.core_type = #tpu.core_type<sc_vector_subcore>, window_params = [{transform_indices = #map}, {transform_indices = #map}, {transform_indices = #map}, {transform_indices = #map}]} {
    %mul3A = arith.constant 2 : i32
    %mul3A_0 = arith.muli %arg1, %mul3A : i32
    %add3A = arith.addi %mul3A_0, %arg0 : i32
    %mul3A_1 = arith.constant 32 : i32
    %mul3A_2 = arith.muli %add3A, %mul3A_1 : i32
    %mul3A_3 = arith.constant 208 : i32
    %mul3A_4 = arith.muli %mul3A_2, %mul3A_3 : i32
    "tpu.region"() ({
      %run_scoped3A = tpu.sem_alloc : memref<!tpu.dma_semaphore, #tpu.memory_space<semaphore_mem>>
      %dma_start3A = tpu.memref_slice %arg2[%mul3A_4] : memref<212992xi32, #tpu.memory_space<hbm>> -> memref<6656xi32, #tpu.memory_space<hbm>>
      %dma_start3A_60 = tpu.memref_slice %arg2[%mul3A_4] : memref<212992xi32, #tpu.memory_space<hbm>> -> memref<6656xi32, #tpu.memory_space<hbm>>
      tpu.enqueue_dma source(%dma_start3A_60 : memref<6656xi32, #tpu.memory_space<hbm>>) target(%arg6 : memref<6656xi32, #tpu.memory_space<vmem>>) target_semaphore(%run_scoped3A : memref<!tpu.dma_semaphore, #tpu.memory_space<semaphore_mem>>)
      %dma_wait3A = tpu.memref_slice %arg2[%mul3A_4] : memref<212992xi32, #tpu.memory_space<hbm>> -> memref<6656xi32, #tpu.memory_space<hbm>>
      %dma_wait3A_61 = tpu.memref_slice %arg2[%mul3A_4] : memref<212992xi32, #tpu.memory_space<hbm>> -> memref<6656xi32, #tpu.memory_space<hbm>>
      tpu.wait_dma2 semaphore(%run_scoped3A : memref<!tpu.dma_semaphore, #tpu.memory_space<semaphore_mem>>) src(%dma_wait3A_61 : memref<6656xi32, #tpu.memory_space<hbm>>) dst(%arg6 : memref<6656xi32, #tpu.memory_space<vmem>>)
      tpu.yield
    }) : () -> ()
    "tpu.region"() ({
      %run_scoped3A = tpu.sem_alloc : memref<!tpu.dma_semaphore, #tpu.memory_space<semaphore_mem>>
      %dma_start3A = arith.constant 0 : i32
      %dma_start3A_60 = tpu.memref_slice %arg3[%dma_start3A] : memref<100000xf32, #tpu.memory_space<hbm>> -> memref<16xf32, #tpu.memory_space<hbm>>
      %dma_start3A_61 = arith.constant 0 : i32
      %dma_start3A_62 = tpu.memref_slice %arg3[%dma_start3A_61] : memref<100000xf32, #tpu.memory_space<hbm>> -> memref<16xf32, #tpu.memory_space<hbm>>
      tpu.enqueue_dma source(%dma_start3A_62 : memref<16xf32, #tpu.memory_space<hbm>>) target(%arg8 : memref<16xf32, #tpu.memory_space<vmem>>) target_semaphore(%run_scoped3A : memref<!tpu.dma_semaphore, #tpu.memory_space<semaphore_mem>>)
      %dma_wait3A = arith.constant 0 : i32
      %dma_wait3A_63 = tpu.memref_slice %arg3[%dma_wait3A] : memref<100000xf32, #tpu.memory_space<hbm>> -> memref<16xf32, #tpu.memory_space<hbm>>
      %dma_wait3A_64 = arith.constant 0 : i32
      %dma_wait3A_65 = tpu.memref_slice %arg3[%dma_wait3A_64] : memref<100000xf32, #tpu.memory_space<hbm>> -> memref<16xf32, #tpu.memory_space<hbm>>
      tpu.wait_dma2 semaphore(%run_scoped3A : memref<!tpu.dma_semaphore, #tpu.memory_space<semaphore_mem>>) src(%dma_wait3A_65 : memref<16xf32, #tpu.memory_space<hbm>>) dst(%arg8 : memref<16xf32, #tpu.memory_space<vmem>>)
      tpu.yield
    }) : () -> ()
    "tpu.region"() ({
      %run_scoped3A = tpu.sem_alloc : memref<!tpu.dma_semaphore, #tpu.memory_space<semaphore_mem>>
      tpu.enqueue_dma source(%arg4 : memref<16xf32, #tpu.memory_space<hbm>>) target(%arg9 : memref<16xf32, #tpu.memory_space<vmem>>) target_semaphore(%run_scoped3A : memref<!tpu.dma_semaphore, #tpu.memory_space<semaphore_mem>>)
      tpu.wait_dma2 semaphore(%run_scoped3A : memref<!tpu.dma_semaphore, #tpu.memory_space<semaphore_mem>>) src(%arg4 : memref<16xf32, #tpu.memory_space<hbm>>) dst(%arg9 : memref<16xf32, #tpu.memory_space<vmem>>)
      tpu.yield
    }) : () -> ()
    %iota3A = tpu.iota {dimensions = array<i32: 0>} : vector<16xi32>
    %broadcast_in_dim3A = arith.constant 0 : i32
    %broadcast_in_dim3A_5 = vector.broadcast %broadcast_in_dim3A : i32 to vector<16xi32>
    %scan3A = arith.constant 0 : i32
    %scan3A_6 = arith.constant 32 : i32
    %scan3A_7 = arith.addi %scan3A, %scan3A_6 : i32
    %scan3A_8 = arith.constant 1 : i32
    %scan3A_9:2 = scf.for %scan3A_60 = %scan3A to %scan3A_7 step %scan3A_8 iter_args(%scan3A_61 = %broadcast_in_dim3A_5, %scan3A_62 = %broadcast_in_dim3A_5) -> (vector<16xi32>, vector<16xi32>)  : i32 {
      %mul3A_63 = arith.constant 208 : i32
      %mul3A_64 = arith.muli %scan3A_60, %mul3A_63 : i32
      %add3A_65 = arith.constant 0 : i32
      %add3A_66 = arith.addi %mul3A_64, %add3A_65 : i32
      %get3A_67 = arith.index_cast %add3A_66 : i32 to index
      %get3A_68 = tpu.vector_load %arg6[%get3A_67] {strides = array<i32>} : memref<6656xi32, #tpu.memory_space<vmem>>, vector<16xi32>,
      %add3A_69 = arith.constant 0 : i32
      %add3A_70 = arith.addi %mul3A_64, %add3A_69 : i32
      %add3A_71 = vector.broadcast %add3A_70 : i32 to vector<16xi32>
      %add3A_72 = arith.addi %add3A_71, %iota3A : vector<16xi32>
      tpu.vector_store_idx %arg7[%get3A_68], %add3A_72 : memref<100016xi32, #tpu.memory_space<vmem>>[vector<16xi32>], vector<16xi32>,
      %add3A_73 = arith.constant 16 : i32
      %add3A_74 = arith.addi %mul3A_64, %add3A_73 : i32
      %get3A_75 = arith.index_cast %add3A_74 : i32 to index
      %get3A_76 = tpu.vector_load %arg6[%get3A_75] {strides = array<i32>} : memref<6656xi32, #tpu.memory_space<vmem>>, vector<16xi32>,
      %add3A_77 = arith.constant 16 : i32
      %add3A_78 = arith.addi %mul3A_64, %add3A_77 : i32
      %add3A_79 = vector.broadcast %add3A_78 : i32 to vector<16xi32>
      %add3A_80 = arith.addi %add3A_79, %iota3A : vector<16xi32>
      tpu.vector_store_idx %arg7[%get3A_76], %add3A_80 : memref<100016xi32, #tpu.memory_space<vmem>>[vector<16xi32>], vector<16xi32>,
      %add3A_81 = arith.constant 32 : i32
      %add3A_82 = arith.addi %mul3A_64, %add3A_81 : i32
      %get3A_83 = arith.index_cast %add3A_82 : i32 to index
      %get3A_84 = tpu.vector_load %arg6[%get3A_83] {strides = array<i32>} : memref<6656xi32, #tpu.memory_space<vmem>>, vector<16xi32>,
      %add3A_85 = arith.constant 32 : i32
      %add3A_86 = arith.addi %mul3A_64, %add3A_85 : i32
      %add3A_87 = vector.broadcast %add3A_86 : i32 to vector<16xi32>
      %add3A_88 = arith.addi %add3A_87, %iota3A : vector<16xi32>
      tpu.vector_store_idx %arg7[%get3A_84], %add3A_88 : memref<100016xi32, #tpu.memory_space<vmem>>[vector<16xi32>], vector<16xi32>,
      %add3A_89 = arith.constant 48 : i32
      %add3A_90 = arith.addi %mul3A_64, %add3A_89 : i32
      %get3A_91 = arith.index_cast %add3A_90 : i32 to index
      %get3A_92 = tpu.vector_load %arg6[%get3A_91] {strides = array<i32>} : memref<6656xi32, #tpu.memory_space<vmem>>, vector<16xi32>,
      %add3A_93 = arith.constant 48 : i32
      %add3A_94 = arith.addi %mul3A_64, %add3A_93 : i32
      %add3A_95 = vector.broadcast %add3A_94 : i32 to vector<16xi32>
      %add3A_96 = arith.addi %add3A_95, %iota3A : vector<16xi32>
      tpu.vector_store_idx %arg7[%get3A_92], %add3A_96 : memref<100016xi32, #tpu.memory_space<vmem>>[vector<16xi32>], vector<16xi32>,
      %add3A_97 = arith.constant 64 : i32
      %add3A_98 = arith.addi %mul3A_64, %add3A_97 : i32
      %get3A_99 = arith.index_cast %add3A_98 : i32 to index
      %get3A_100 = tpu.vector_load %arg6[%get3A_99] {strides = array<i32>} : memref<6656xi32, #tpu.memory_space<vmem>>, vector<16xi32>,
      %add3A_101 = arith.constant 64 : i32
      %add3A_102 = arith.addi %mul3A_64, %add3A_101 : i32
      %add3A_103 = vector.broadcast %add3A_102 : i32 to vector<16xi32>
      %add3A_104 = arith.addi %add3A_103, %iota3A : vector<16xi32>
      tpu.vector_store_idx %arg7[%get3A_100], %add3A_104 : memref<100016xi32, #tpu.memory_space<vmem>>[vector<16xi32>], vector<16xi32>,
      %add3A_105 = arith.constant 80 : i32
      %add3A_106 = arith.addi %mul3A_64, %add3A_105 : i32
      %get3A_107 = arith.index_cast %add3A_106 : i32 to index
      %get3A_108 = tpu.vector_load %arg6[%get3A_107] {strides = array<i32>} : memref<6656xi32, #tpu.memory_space<vmem>>, vector<16xi32>,
      %add3A_109 = arith.constant 80 : i32
      %add3A_110 = arith.addi %mul3A_64, %add3A_109 : i32
      %add3A_111 = vector.broadcast %add3A_110 : i32 to vector<16xi32>
      %add3A_112 = arith.addi %add3A_111, %iota3A : vector<16xi32>
      tpu.vector_store_idx %arg7[%get3A_108], %add3A_112 : memref<100016xi32, #tpu.memory_space<vmem>>[vector<16xi32>], vector<16xi32>,
      %add3A_113 = arith.constant 96 : i32
      %add3A_114 = arith.addi %mul3A_64, %add3A_113 : i32
      %get3A_115 = arith.index_cast %add3A_114 : i32 to index
      %get3A_116 = tpu.vector_load %arg6[%get3A_115] {strides = array<i32>} : memref<6656xi32, #tpu.memory_space<vmem>>, vector<16xi32>,
      %add3A_117 = arith.constant 96 : i32
      %add3A_118 = arith.addi %mul3A_64, %add3A_117 : i32
      %add3A_119 = vector.broadcast %add3A_118 : i32 to vector<16xi32>
      %add3A_120 = arith.addi %add3A_119, %iota3A : vector<16xi32>
      tpu.vector_store_idx %arg7[%get3A_116], %add3A_120 : memref<100016xi32, #tpu.memory_space<vmem>>[vector<16xi32>], vector<16xi32>,
      %add3A_121 = arith.constant 112 : i32
      %add3A_122 = arith.addi %mul3A_64, %add3A_121 : i32
      %get3A_123 = arith.index_cast %add3A_122 : i32 to index
      %get3A_124 = tpu.vector_load %arg6[%get3A_123] {strides = array<i32>} : memref<6656xi32, #tpu.memory_space<vmem>>, vector<16xi32>,
      %add3A_125 = arith.constant 112 : i32
      %add3A_126 = arith.addi %mul3A_64, %add3A_125 : i32
      %add3A_127 = vector.broadcast %add3A_126 : i32 to vector<16xi32>
      %add3A_128 = arith.addi %add3A_127, %iota3A : vector<16xi32>
      tpu.vector_store_idx %arg7[%get3A_124], %add3A_128 : memref<100016xi32, #tpu.memory_space<vmem>>[vector<16xi32>], vector<16xi32>,
      %add3A_129 = arith.constant 128 : i32
      %add3A_130 = arith.addi %mul3A_64, %add3A_129 : i32
      %get3A_131 = arith.index_cast %add3A_130 : i32 to index
      %get3A_132 = tpu.vector_load %arg6[%get3A_131] {strides = array<i32>} : memref<6656xi32, #tpu.memory_space<vmem>>, vector<16xi32>,
      %add3A_133 = arith.constant 128 : i32
      %add3A_134 = arith.addi %mul3A_64, %add3A_133 : i32
      %add3A_135 = vector.broadcast %add3A_134 : i32 to vector<16xi32>
      %add3A_136 = arith.addi %add3A_135, %iota3A : vector<16xi32>
      tpu.vector_store_idx %arg7[%get3A_132], %add3A_136 : memref<100016xi32, #tpu.memory_space<vmem>>[vector<16xi32>], vector<16xi32>,
      %add3A_137 = arith.constant 144 : i32
      %add3A_138 = arith.addi %mul3A_64, %add3A_137 : i32
      %get3A_139 = arith.index_cast %add3A_138 : i32 to index
      %get3A_140 = tpu.vector_load %arg6[%get3A_139] {strides = array<i32>} : memref<6656xi32, #tpu.memory_space<vmem>>, vector<16xi32>,
      %add3A_141 = arith.constant 144 : i32
      %add3A_142 = arith.addi %mul3A_64, %add3A_141 : i32
      %add3A_143 = vector.broadcast %add3A_142 : i32 to vector<16xi32>
      %add3A_144 = arith.addi %add3A_143, %iota3A : vector<16xi32>
      tpu.vector_store_idx %arg7[%get3A_140], %add3A_144 : memref<100016xi32, #tpu.memory_space<vmem>>[vector<16xi32>], vector<16xi32>,
      %add3A_145 = arith.constant 160 : i32
      %add3A_146 = arith.addi %mul3A_64, %add3A_145 : i32
      %get3A_147 = arith.index_cast %add3A_146 : i32 to index
      %get3A_148 = tpu.vector_load %arg6[%get3A_147] {strides = array<i32>} : memref<6656xi32, #tpu.memory_space<vmem>>, vector<16xi32>,
      %add3A_149 = arith.constant 160 : i32
      %add3A_150 = arith.addi %mul3A_64, %add3A_149 : i32
      %add3A_151 = vector.broadcast %add3A_150 : i32 to vector<16xi32>
      %add3A_152 = arith.addi %add3A_151, %iota3A : vector<16xi32>
      tpu.vector_store_idx %arg7[%get3A_148], %add3A_152 : memref<100016xi32, #tpu.memory_space<vmem>>[vector<16xi32>], vector<16xi32>,
      %add3A_153 = arith.constant 176 : i32
      %add3A_154 = arith.addi %mul3A_64, %add3A_153 : i32
      %get3A_155 = arith.index_cast %add3A_154 : i32 to index
      %get3A_156 = tpu.vector_load %arg6[%get3A_155] {strides = array<i32>} : memref<6656xi32, #tpu.memory_space<vmem>>, vector<16xi32>,
      %add3A_157 = arith.constant 176 : i32
      %add3A_158 = arith.addi %mul3A_64, %add3A_157 : i32
      %add3A_159 = vector.broadcast %add3A_158 : i32 to vector<16xi32>
      %add3A_160 = arith.addi %add3A_159, %iota3A : vector<16xi32>
      tpu.vector_store_idx %arg7[%get3A_156], %add3A_160 : memref<100016xi32, #tpu.memory_space<vmem>>[vector<16xi32>], vector<16xi32>,
      %add3A_161 = arith.constant 192 : i32
      %add3A_162 = arith.addi %mul3A_64, %add3A_161 : i32
      %get3A_163 = arith.index_cast %add3A_162 : i32 to index
      %get3A_164 = tpu.vector_load %arg6[%get3A_163] {strides = array<i32>} : memref<6656xi32, #tpu.memory_space<vmem>>, vector<16xi32>,
      %add3A_165 = arith.constant 192 : i32
      %add3A_166 = arith.addi %mul3A_64, %add3A_165 : i32
      %add3A_167 = vector.broadcast %add3A_166 : i32 to vector<16xi32>
      %add3A_168 = arith.addi %add3A_167, %iota3A : vector<16xi32>
      tpu.vector_store_idx %arg7[%get3A_164], %add3A_168 : memref<100016xi32, #tpu.memory_space<vmem>>[vector<16xi32>], vector<16xi32>,
      %broadcast_in_dim3A_169 = arith.constant 0 : i32
      %broadcast_in_dim3A_170 = vector.broadcast %broadcast_in_dim3A_169 : i32 to vector<16xi32>
      %gather3A = tpu.vector_load_idx %arg7[%get3A_68] : memref<100016xi32, #tpu.memory_space<vmem>>[vector<16xi32>], vector<16xi32>,
      %eq3A = arith.cmpi eq, %gather3A, %add3A_72 : vector<16xi32>
      %jit3A_171 = arith.constant 1 : i32
      %jit3A_172 = arith.constant 0 : i32
      %broadcast_in_dim3A_173 = vector.broadcast %jit3A_171 : i32 to vector<16xi32>
      %broadcast_in_dim3A_174 = vector.broadcast %jit3A_172 : i32 to vector<16xi32>
      %select_n3A_175 = arith.select %eq3A, %broadcast_in_dim3A_173, %broadcast_in_dim3A_174 : vector<16xi1>, vector<16xi32>
      %add3A_176 = arith.addi %broadcast_in_dim3A_170, %select_n3A_175 : vector<16xi32>
      %gather3A_177 = tpu.vector_load_idx %arg7[%get3A_76] : memref<100016xi32, #tpu.memory_space<vmem>>[vector<16xi32>], vector<16xi32>,
      %eq3A_178 = arith.cmpi eq, %gather3A_177, %add3A_80 : vector<16xi32>
      %jit3A_179 = arith.constant 1 : i32
      %jit3A_180 = arith.constant 0 : i32
      %broadcast_in_dim3A_181 = vector.broadcast %jit3A_179 : i32 to vector<16xi32>
      %broadcast_in_dim3A_182 = vector.broadcast %jit3A_180 : i32 to vector<16xi32>
      %select_n3A_183 = arith.select %eq3A_178, %broadcast_in_dim3A_181, %broadcast_in_dim3A_182 : vector<16xi1>, vector<16xi32>
      %add3A_184 = arith.addi %add3A_176, %select_n3A_183 : vector<16xi32>
      %gather3A_185 = tpu.vector_load_idx %arg7[%get3A_84] : memref<100016xi32, #tpu.memory_space<vmem>>[vector<16xi32>], vector<16xi32>,
      %eq3A_186 = arith.cmpi eq, %gather3A_185, %add3A_88 : vector<16xi32>
      %jit3A_187 = arith.constant 1 : i32
      %jit3A_188 = arith.constant 0 : i32
      %broadcast_in_dim3A_189 = vector.broadcast %jit3A_187 : i32 to vector<16xi32>
      %broadcast_in_dim3A_190 = vector.broadcast %jit3A_188 : i32 to vector<16xi32>
      %select_n3A_191 = arith.select %eq3A_186, %broadcast_in_dim3A_189, %broadcast_in_dim3A_190 : vector<16xi1>, vector<16xi32>
      %add3A_192 = arith.addi %add3A_184, %select_n3A_191 : vector<16xi32>
      %gather3A_193 = tpu.vector_load_idx %arg7[%get3A_92] : memref<100016xi32, #tpu.memory_space<vmem>>[vector<16xi32>], vector<16xi32>,
      %eq3A_194 = arith.cmpi eq, %gather3A_193, %add3A_96 : vector<16xi32>
      %jit3A_195 = arith.constant 1 : i32
      %jit3A_196 = arith.constant 0 : i32
      %broadcast_in_dim3A_197 = vector.broadcast %jit3A_195 : i32 to vector<16xi32>
      %broadcast_in_dim3A_198 = vector.broadcast %jit3A_196 : i32 to vector<16xi32>
      %select_n3A_199 = arith.select %eq3A_194, %broadcast_in_dim3A_197, %broadcast_in_dim3A_198 : vector<16xi1>, vector<16xi32>
      %add3A_200 = arith.addi %add3A_192, %select_n3A_199 : vector<16xi32>
      %gather3A_201 = tpu.vector_load_idx %arg7[%get3A_100] : memref<100016xi32, #tpu.memory_space<vmem>>[vector<16xi32>], vector<16xi32>,
      %eq3A_202 = arith.cmpi eq, %gather3A_201, %add3A_104 : vector<16xi32>
      %jit3A_203 = arith.constant 1 : i32
      %jit3A_204 = arith.constant 0 : i32
      %broadcast_in_dim3A_205 = vector.broadcast %jit3A_203 : i32 to vector<16xi32>
      %broadcast_in_dim3A_206 = vector.broadcast %jit3A_204 : i32 to vector<16xi32>
      %select_n3A_207 = arith.select %eq3A_202, %broadcast_in_dim3A_205, %broadcast_in_dim3A_206 : vector<16xi1>, vector<16xi32>
      %add3A_208 = arith.addi %add3A_200, %select_n3A_207 : vector<16xi32>
      %gather3A_209 = tpu.vector_load_idx %arg7[%get3A_108] : memref<100016xi32, #tpu.memory_space<vmem>>[vector<16xi32>], vector<16xi32>,
      %eq3A_210 = arith.cmpi eq, %gather3A_209, %add3A_112 : vector<16xi32>
      %jit3A_211 = arith.constant 1 : i32
      %jit3A_212 = arith.constant 0 : i32
      %broadcast_in_dim3A_213 = vector.broadcast %jit3A_211 : i32 to vector<16xi32>
      %broadcast_in_dim3A_214 = vector.broadcast %jit3A_212 : i32 to vector<16xi32>
      %select_n3A_215 = arith.select %eq3A_210, %broadcast_in_dim3A_213, %broadcast_in_dim3A_214 : vector<16xi1>, vector<16xi32>
      %add3A_216 = arith.addi %add3A_208, %select_n3A_215 : vector<16xi32>
      %gather3A_217 = tpu.vector_load_idx %arg7[%get3A_116] : memref<100016xi32, #tpu.memory_space<vmem>>[vector<16xi32>], vector<16xi32>,
      %eq3A_218 = arith.cmpi eq, %gather3A_217, %add3A_120 : vector<16xi32>
      %jit3A_219 = arith.constant 1 : i32
      %jit3A_220 = arith.constant 0 : i32
      %broadcast_in_dim3A_221 = vector.broadcast %jit3A_219 : i32 to vector<16xi32>
      %broadcast_in_dim3A_222 = vector.broadcast %jit3A_220 : i32 to vector<16xi32>
      %select_n3A_223 = arith.select %eq3A_218, %broadcast_in_dim3A_221, %broadcast_in_dim3A_222 : vector<16xi1>, vector<16xi32>
      %add3A_224 = arith.addi %add3A_216, %select_n3A_223 : vector<16xi32>
      %gather3A_225 = tpu.vector_load_idx %arg7[%get3A_124] : memref<100016xi32, #tpu.memory_space<vmem>>[vector<16xi32>], vector<16xi32>,
      %eq3A_226 = arith.cmpi eq, %gather3A_225, %add3A_128 : vector<16xi32>
      %jit3A_227 = arith.constant 1 : i32
      %jit3A_228 = arith.constant 0 : i32
      %broadcast_in_dim3A_229 = vector.broadcast %jit3A_227 : i32 to vector<16xi32>
      %broadcast_in_dim3A_230 = vector.broadcast %jit3A_228 : i32 to vector<16xi32>
      %select_n3A_231 = arith.select %eq3A_226, %broadcast_in_dim3A_229, %broadcast_in_dim3A_230 : vector<16xi1>, vector<16xi32>
      %add3A_232 = arith.addi %add3A_224, %select_n3A_231 : vector<16xi32>
      %gather3A_233 = tpu.vector_load_idx %arg7[%get3A_132] : memref<100016xi32, #tpu.memory_space<vmem>>[vector<16xi32>], vector<16xi32>,
      %eq3A_234 = arith.cmpi eq, %gather3A_233, %add3A_136 : vector<16xi32>
      %jit3A_235 = arith.constant 1 : i32
      %jit3A_236 = arith.constant 0 : i32
      %broadcast_in_dim3A_237 = vector.broadcast %jit3A_235 : i32 to vector<16xi32>
      %broadcast_in_dim3A_238 = vector.broadcast %jit3A_236 : i32 to vector<16xi32>
      %select_n3A_239 = arith.select %eq3A_234, %broadcast_in_dim3A_237, %broadcast_in_dim3A_238 : vector<16xi1>, vector<16xi32>
      %add3A_240 = arith.addi %add3A_232, %select_n3A_239 : vector<16xi32>
      %gather3A_241 = tpu.vector_load_idx %arg7[%get3A_140] : memref<100016xi32, #tpu.memory_space<vmem>>[vector<16xi32>], vector<16xi32>,
      %eq3A_242 = arith.cmpi eq, %gather3A_241, %add3A_144 : vector<16xi32>
      %jit3A_243 = arith.constant 1 : i32
      %jit3A_244 = arith.constant 0 : i32
      %broadcast_in_dim3A_245 = vector.broadcast %jit3A_243 : i32 to vector<16xi32>
      %broadcast_in_dim3A_246 = vector.broadcast %jit3A_244 : i32 to vector<16xi32>
      %select_n3A_247 = arith.select %eq3A_242, %broadcast_in_dim3A_245, %broadcast_in_dim3A_246 : vector<16xi1>, vector<16xi32>
      %add3A_248 = arith.addi %add3A_240, %select_n3A_247 : vector<16xi32>
      %gather3A_249 = tpu.vector_load_idx %arg7[%get3A_148] : memref<100016xi32, #tpu.memory_space<vmem>>[vector<16xi32>], vector<16xi32>,
      %eq3A_250 = arith.cmpi eq, %gather3A_249, %add3A_152 : vector<16xi32>
      %jit3A_251 = arith.constant 1 : i32
      %jit3A_252 = arith.constant 0 : i32
      %broadcast_in_dim3A_253 = vector.broadcast %jit3A_251 : i32 to vector<16xi32>
      %broadcast_in_dim3A_254 = vector.broadcast %jit3A_252 : i32 to vector<16xi32>
      %select_n3A_255 = arith.select %eq3A_250, %broadcast_in_dim3A_253, %broadcast_in_dim3A_254 : vector<16xi1>, vector<16xi32>
      %add3A_256 = arith.addi %add3A_248, %select_n3A_255 : vector<16xi32>
      %gather3A_257 = tpu.vector_load_idx %arg7[%get3A_156] : memref<100016xi32, #tpu.memory_space<vmem>>[vector<16xi32>], vector<16xi32>,
      %eq3A_258 = arith.cmpi eq, %gather3A_257, %add3A_160 : vector<16xi32>
      %jit3A_259 = arith.constant 1 : i32
      %jit3A_260 = arith.constant 0 : i32
      %broadcast_in_dim3A_261 = vector.broadcast %jit3A_259 : i32 to vector<16xi32>
      %broadcast_in_dim3A_262 = vector.broadcast %jit3A_260 : i32 to vector<16xi32>
      %select_n3A_263 = arith.select %eq3A_258, %broadcast_in_dim3A_261, %broadcast_in_dim3A_262 : vector<16xi1>, vector<16xi32>
      %add3A_264 = arith.addi %add3A_256, %select_n3A_263 : vector<16xi32>
      %gather3A_265 = tpu.vector_load_idx %arg7[%get3A_164] : memref<100016xi32, #tpu.memory_space<vmem>>[vector<16xi32>], vector<16xi32>,
      %eq3A_266 = arith.cmpi eq, %gather3A_265, %add3A_168 : vector<16xi32>
      %jit3A_267 = arith.constant 1 : i32
      %jit3A_268 = arith.constant 0 : i32
      %broadcast_in_dim3A_269 = vector.broadcast %jit3A_267 : i32 to vector<16xi32>
      %broadcast_in_dim3A_270 = vector.broadcast %jit3A_268 : i32 to vector<16xi32>
      %select_n3A_271 = arith.select %eq3A_266, %broadcast_in_dim3A_269, %broadcast_in_dim3A_270 : vector<16xi1>, vector<16xi32>
      %add3A_272 = arith.addi %add3A_264, %select_n3A_271 : vector<16xi32>
      %reduce_sum3A = arith.constant true
      %reduce_sum3A_273 = vector.broadcast %reduce_sum3A : i1 to vector<16xi1>
      %reduce_sum3A_274 = tpu.scan <sum>, %add3A_272 masked %reduce_sum3A_273 : vector<16xi32>, vector<16xi1> -> vector<16xi32>
      %reduce_sum3A_275 = vector.extract %reduce_sum3A_274[15] : i32 from vector<16xi32>
      %sub3A_276 = arith.constant 8 : i32
      %sub3A_277 = arith.subi %reduce_sum3A_275, %sub3A_276 : i32
      %jit3A_278 = arith.constant 16 : i32
      %eq3A_279 = arith.constant 0 : i32
      %eq3A_280 = arith.cmpi eq, %jit3A_278, %eq3A_279 : i32
      %jit3A_281 = arith.constant 1 : i32
      %select_n3A_282 = arith.select %eq3A_280, %jit3A_281, %jit3A_278 : i32
      %rem3A = arith.remsi %scan3A_60, %select_n3A_282 : i32
      %ne3A = arith.constant 0 : i32
      %ne3A_283 = arith.cmpi ne, %rem3A, %ne3A : i32
      %lt3A = arith.constant 0 : i32
      %lt3A_284 = arith.cmpi slt, %rem3A, %lt3A : i32
      %lt3A_285 = arith.constant 0 : i32
      %lt3A_286 = arith.cmpi slt, %select_n3A_282, %lt3A_285 : i32
      %ne3A_287 = arith.xori %lt3A_284, %lt3A_286 : i1
      %and3A = arith.andi %ne3A_287, %ne3A_283 : i1
      %add3A_288 = arith.addi %rem3A, %select_n3A_282 : i32
      %select_n3A_289 = arith.select %and3A, %add3A_288, %rem3A : i32
      %eq3A_290 = vector.broadcast %select_n3A_289 : i32 to vector<16xi32>
      %eq3A_291 = arith.cmpi eq, %iota3A, %eq3A_290 : vector<16xi32>
      %jit3A_292 = arith.constant 0 : i32
      %broadcast_in_dim3A_293 = vector.broadcast %sub3A_277 : i32 to vector<16xi32>
      %broadcast_in_dim3A_294 = vector.broadcast %jit3A_292 : i32 to vector<16xi32>
      %select_n3A_295 = arith.select %eq3A_291, %broadcast_in_dim3A_293, %broadcast_in_dim3A_294 : vector<16xi1>, vector<16xi32>
      %broadcast_in_dim3A_296 = arith.constant 0 : i32
      %broadcast_in_dim3A_297 = vector.broadcast %broadcast_in_dim3A_296 : i32 to vector<16xi32>
      %lt3A_298 = arith.constant 16 : i32
      %lt3A_299 = arith.cmpi slt, %scan3A_60, %lt3A_298 : i32
      %select_n3A_300 = arith.select %lt3A_299, %select_n3A_295, %broadcast_in_dim3A_297 : vector<16xi32>
      %add3A_301 = arith.addi %scan3A_61, %select_n3A_300 : vector<16xi32>
      %select_n3A_302 = arith.select %lt3A_299, %broadcast_in_dim3A_297, %select_n3A_295 : vector<16xi32>
      %add3A_303 = arith.addi %scan3A_62, %select_n3A_302 : vector<16xi32>
      scf.yield %add3A_301, %add3A_303 : vector<16xi32>, vector<16xi32>
    }
    %scan3A_10 = arith.constant 32 : i32
    %get3A = arith.constant 0 : index
    %get3A_11 = tpu.vector_load %arg8[%get3A] {strides = array<i32>} : memref<16xf32, #tpu.memory_space<vmem>>, vector<16xf32>,
    %slice3A = vector.extract_strided_slice %get3A_11 {offsets = [0], sizes = [1], strides = [1]} : vector<16xf32> to vector<1xf32>
    %squeeze3A = vector.extract %slice3A[0] : f32 from vector<1xf32>
    %broadcast_in_dim3A_12 = vector.broadcast %squeeze3A : f32 to vector<16xf32>
    %slice3A_13 = vector.extract_strided_slice %get3A_11 {offsets = [1], sizes = [1], strides = [1]} : vector<16xf32> to vector<1xf32>
    %squeeze3A_14 = vector.extract %slice3A_13[0] : f32 from vector<1xf32>
    %broadcast_in_dim3A_15 = vector.broadcast %squeeze3A_14 : f32 to vector<16xf32>
    %get3A_16 = arith.constant 0 : index
    %get3A_17 = tpu.vector_load %arg9[%get3A_16] {strides = array<i32>} : memref<16xf32, #tpu.memory_space<vmem>>, vector<16xf32>,
    %convert_element_type3A = arith.sitofp %scan3A_9#0 : vector<16xi32> to vector<16xf32>
    %mul3A_18 = arith.mulf %convert_element_type3A, %broadcast_in_dim3A_15 : vector<16xf32>
    %sub3A = arith.constant 1.000000e+05 : f32
    %sub3A_19 = vector.broadcast %sub3A : f32 to vector<16xf32>
    %sub3A_20 = arith.subf %sub3A_19, %convert_element_type3A : vector<16xf32>
    %mul3A_21 = arith.mulf %sub3A_20, %broadcast_in_dim3A_12 : vector<16xf32>
    %add3A_22 = arith.addf %mul3A_18, %mul3A_21 : vector<16xf32>
    %add3A_23 = arith.addf %add3A_22, %get3A_17 : vector<16xf32>
    %ge3A = arith.constant 0.000000e+00 : f32
    %ge3A_24 = vector.broadcast %ge3A : f32 to vector<16xf32>
    %ge3A_25 = arith.cmpf oge, %add3A_23, %ge3A_24 : vector<16xf32>
    %jit3A = arith.constant 1.000000e+00 : f32
    %jit3A_26 = arith.constant 0.000000e+00 : f32
    %broadcast_in_dim3A_27 = vector.broadcast %jit3A : f32 to vector<16xf32>
    %broadcast_in_dim3A_28 = vector.broadcast %jit3A_26 : f32 to vector<16xf32>
    %select_n3A = arith.select %ge3A_25, %broadcast_in_dim3A_27, %broadcast_in_dim3A_28 : vector<16xi1>, vector<16xf32>
    %swap3A = arith.constant 0 : index
    %swap3A_29 = tpu.vector_load %arg10[%swap3A] {strides = array<i32>} : memref<64xf32, #tpu.memory_space<vmem>>, vector<16xf32>,
    tpu.vector_store %arg10[%swap3A], %select_n3A {strides = array<i32>} : memref<64xf32, #tpu.memory_space<vmem>>, vector<16xf32>,
    %sub3A_30 = arith.constant 1.000000e+00 : f32
    %sub3A_31 = vector.broadcast %sub3A_30 : f32 to vector<16xf32>
    %sub3A_32 = arith.subf %sub3A_31, %select_n3A : vector<16xf32>
    %swap3A_33 = arith.constant 32 : index
    %swap3A_34 = tpu.vector_load %arg10[%swap3A_33] {strides = array<i32>} : memref<64xf32, #tpu.memory_space<vmem>>, vector<16xf32>,
    tpu.vector_store %arg10[%swap3A_33], %sub3A_32 {strides = array<i32>} : memref<64xf32, #tpu.memory_space<vmem>>, vector<16xf32>,
    %convert_element_type3A_35 = arith.sitofp %scan3A_9#1 : vector<16xi32> to vector<16xf32>
    %mul3A_36 = arith.mulf %convert_element_type3A_35, %broadcast_in_dim3A_15 : vector<16xf32>
    %sub3A_37 = arith.constant 1.000000e+05 : f32
    %sub3A_38 = vector.broadcast %sub3A_37 : f32 to vector<16xf32>
    %sub3A_39 = arith.subf %sub3A_38, %convert_element_type3A_35 : vector<16xf32>
    %mul3A_40 = arith.mulf %sub3A_39, %broadcast_in_dim3A_12 : vector<16xf32>
    %add3A_41 = arith.addf %mul3A_36, %mul3A_40 : vector<16xf32>
    %add3A_42 = arith.addf %add3A_41, %get3A_17 : vector<16xf32>
    %ge3A_43 = arith.constant 0.000000e+00 : f32
    %ge3A_44 = vector.broadcast %ge3A_43 : f32 to vector<16xf32>
    %ge3A_45 = arith.cmpf oge, %add3A_42, %ge3A_44 : vector<16xf32>
    %jit3A_46 = arith.constant 1.000000e+00 : f32
    %jit3A_47 = arith.constant 0.000000e+00 : f32
    %broadcast_in_dim3A_48 = vector.broadcast %jit3A_46 : f32 to vector<16xf32>
    %broadcast_in_dim3A_49 = vector.broadcast %jit3A_47 : f32 to vector<16xf32>
    %select_n3A_50 = arith.select %ge3A_45, %broadcast_in_dim3A_48, %broadcast_in_dim3A_49 : vector<16xi1>, vector<16xf32>
    %swap3A_51 = arith.constant 16 : index
    %swap3A_52 = tpu.vector_load %arg10[%swap3A_51] {strides = array<i32>} : memref<64xf32, #tpu.memory_space<vmem>>, vector<16xf32>,
    tpu.vector_store %arg10[%swap3A_51], %select_n3A_50 {strides = array<i32>} : memref<64xf32, #tpu.memory_space<vmem>>, vector<16xf32>,
    %sub3A_53 = arith.constant 1.000000e+00 : f32
    %sub3A_54 = vector.broadcast %sub3A_53 : f32 to vector<16xf32>
    %sub3A_55 = arith.subf %sub3A_54, %select_n3A_50 : vector<16xf32>
    %swap3A_56 = arith.constant 48 : index
    %swap3A_57 = tpu.vector_load %arg10[%swap3A_56] {strides = array<i32>} : memref<64xf32, #tpu.memory_space<vmem>>, vector<16xf32>,
    tpu.vector_store %arg10[%swap3A_56], %sub3A_55 {strides = array<i32>} : memref<64xf32, #tpu.memory_space<vmem>>, vector<16xf32>,
    "tpu.region"() ({
      %run_scoped3A = tpu.sem_alloc : memref<!tpu.dma_semaphore, #tpu.memory_space<semaphore_mem>>
      %dma_start3A = arith.constant 0 : i32
      %dma_start3A_60 = tpu.memref_slice %arg10[%dma_start3A] : memref<64xf32, #tpu.memory_space<vmem>> -> memref<32xf32, #tpu.memory_space<vmem>>
      %dma_start3A_61 = tpu.memref_slice %arg5[%mul3A_2] : memref<2048xf32, #tpu.memory_space<hbm>> -> memref<32xf32, #tpu.memory_space<hbm>>
      %dma_start3A_62 = tpu.memref_slice %arg5[%mul3A_2] : memref<2048xf32, #tpu.memory_space<hbm>> -> memref<32xf32, #tpu.memory_space<hbm>>
      %dma_start3A_63 = arith.constant 0 : i32
      %dma_start3A_64 = tpu.memref_slice %arg10[%dma_start3A_63] : memref<64xf32, #tpu.memory_space<vmem>> -> memref<32xf32, #tpu.memory_space<vmem>>
      tpu.enqueue_dma source(%dma_start3A_64 : memref<32xf32, #tpu.memory_space<vmem>>) target(%dma_start3A_62 : memref<32xf32, #tpu.memory_space<hbm>>) target_semaphore(%run_scoped3A : memref<!tpu.dma_semaphore, #tpu.memory_space<semaphore_mem>>)
      %dma_wait3A = arith.constant 0 : i32
      %dma_wait3A_65 = tpu.memref_slice %arg10[%dma_wait3A] : memref<64xf32, #tpu.memory_space<vmem>> -> memref<32xf32, #tpu.memory_space<vmem>>
      %dma_wait3A_66 = tpu.memref_slice %arg5[%mul3A_2] : memref<2048xf32, #tpu.memory_space<hbm>> -> memref<32xf32, #tpu.memory_space<hbm>>
      %dma_wait3A_67 = tpu.memref_slice %arg5[%mul3A_2] : memref<2048xf32, #tpu.memory_space<hbm>> -> memref<32xf32, #tpu.memory_space<hbm>>
      %dma_wait3A_68 = arith.constant 0 : i32
      %dma_wait3A_69 = tpu.memref_slice %arg10[%dma_wait3A_68] : memref<64xf32, #tpu.memory_space<vmem>> -> memref<32xf32, #tpu.memory_space<vmem>>
      tpu.wait_dma2 semaphore(%run_scoped3A : memref<!tpu.dma_semaphore, #tpu.memory_space<semaphore_mem>>) src(%dma_wait3A_69 : memref<32xf32, #tpu.memory_space<vmem>>) dst(%dma_wait3A_67 : memref<32xf32, #tpu.memory_space<hbm>>)
      tpu.yield
    }) : () -> ()
    %add3A_58 = arith.constant 1024 : i32
    %add3A_59 = arith.addi %add3A_58, %mul3A_2 : i32
    "tpu.region"() ({
      %run_scoped3A = tpu.sem_alloc : memref<!tpu.dma_semaphore, #tpu.memory_space<semaphore_mem>>
      %dma_start3A = arith.constant 32 : i32
      %dma_start3A_60 = tpu.memref_slice %arg10[%dma_start3A] : memref<64xf32, #tpu.memory_space<vmem>> -> memref<32xf32, #tpu.memory_space<vmem>>
      %dma_start3A_61 = tpu.memref_slice %arg5[%add3A_59] : memref<2048xf32, #tpu.memory_space<hbm>> -> memref<32xf32, #tpu.memory_space<hbm>>
      %dma_start3A_62 = tpu.memref_slice %arg5[%add3A_59] : memref<2048xf32, #tpu.memory_space<hbm>> -> memref<32xf32, #tpu.memory_space<hbm>>
      %dma_start3A_63 = arith.constant 32 : i32
      %dma_start3A_64 = tpu.memref_slice %arg10[%dma_start3A_63] : memref<64xf32, #tpu.memory_space<vmem>> -> memref<32xf32, #tpu.memory_space<vmem>>
      tpu.enqueue_dma source(%dma_start3A_64 : memref<32xf32, #tpu.memory_space<vmem>>) target(%dma_start3A_62 : memref<32xf32, #tpu.memory_space<hbm>>) target_semaphore(%run_scoped3A : memref<!tpu.dma_semaphore, #tpu.memory_space<semaphore_mem>>)
      %dma_wait3A = arith.constant 32 : i32
      %dma_wait3A_65 = tpu.memref_slice %arg10[%dma_wait3A] : memref<64xf32, #tpu.memory_space<vmem>> -> memref<32xf32, #tpu.memory_space<vmem>>
      %dma_wait3A_66 = tpu.memref_slice %arg5[%add3A_59] : memref<2048xf32, #tpu.memory_space<hbm>> -> memref<32xf32, #tpu.memory_space<hbm>>
      %dma_wait3A_67 = tpu.memref_slice %arg5[%add3A_59] : memref<2048xf32, #tpu.memory_space<hbm>> -> memref<32xf32, #tpu.memory_space<hbm>>
      %dma_wait3A_68 = arith.constant 32 : i32
      %dma_wait3A_69 = tpu.memref_slice %arg10[%dma_wait3A_68] : memref<64xf32, #tpu.memory_space<vmem>> -> memref<32xf32, #tpu.memory_space<vmem>>
      tpu.wait_dma2 semaphore(%run_scoped3A : memref<!tpu.dma_semaphore, #tpu.memory_space<semaphore_mem>>) src(%dma_wait3A_69 : memref<32xf32, #tpu.memory_space<vmem>>) dst(%dma_wait3A_67 : memref<32xf32, #tpu.memory_space<hbm>>)
      tpu.yield
    }) : () -> ()
    return
  }
}

</mosaic_0001>

<sc_bundles>
// kernel: kernel.3.cloned.1.call-start
scs
__scs_entry_jumppad:
0x0: {  	(pc) =	sbr.rel $0x88, $3  }
0x1: {  	(tag) =	ssettag $0x0;
	lr =	simm.s32 $0x1  }
0x2: {  	[smem:$0x3F9E] =	sst lr;
	_ =	strace $0xD0000000  }
0x3: {  	_ = 	snop  }
0x4: {  	_ = 	snop  }
0x5: {  	_ = 	snop  }
0x6: {  	_ = 	snop  }
0x7: {  	_ = 	snop  }
__scs_overlays_trampoline_lowered:
0x8: {  	[smem:$0x3FAD] =	sst s0  }
0x9: {  	[smem:$0x3FAE] =	sst s1  }
0xa: {  	[smem:$0x3FAF] =	sst s2  }
0xb: {  	[smem:$0x3FB0] =	sst s3  }
0xc: {  	[smem:$0x3FB1] =	sst s4  }
0xd: {  	[smem:$0x3FB2] =	sst s5  }
0xe: {  	[smem:$0x3FB3] =	sst s6  }
0xf: {  	[smem:$0x3FB4] =	sst s7  }
0x10: {  	[smem:$0x3FB5] =	sst s8  }
0x11: {  	[smem:$0x3FB6] =	sst s9;
	s0 =	simm.s32 @!p0 $0x0  }
0x12: {  	s1 =	sld [smem:$0x3F9C];
	s0 =	simm.s32 @p0 $0x1  }
0x13: {  	[smem:$0x3FB7] =	sst s0;
	s0 =	simm.s32 @!p1 $0x0  }
0x14: {  	s2 =	sld [smem:$0x3F9B];
	s0 =	simm.s32 @p1 $0x1  }
0x15: {  	[smem:$0x3FB8] =	sst s0;
	s0 =	simm.s32 @!p2 $0x0  }
0x16: {  	s3 =	sld [smem:$0x3FDB];
	s0 =	simm.s32 @p2 $0x1  }
0x17: {  	s4 =	simm.s32 $0x1BF5;
	[smem:$0x3FBA] =	sst s0  }
0x18: {  	s0 =	sld [smem:$0x3F9D];
	_ =	swait.ge [sflag:s4], $0x0  }
0x19: {  	s7 =	sld [smem:$0x3F9E]  }
0x1a: {  	s8 =	sadd.s32 $0xFFFFE003, lr  }
0x1b: {  	s9 =	sadd.s32 $0xFFFFFEF7, lr;
	s5 =	simm.s32 $0xFFFFFFFF;
	p2 =	slt.u32 s8, $0xFFFFF086  }
0x1c: {  	p1 =	slt.u32 s9, $0xF7A;
	s5 =	simm.s32 @!p2 $0x0  }
0x1d: {  	s5 =	simm.s32 @p1 $0x1;
	p0 =	seq.s32 s7, s2  }
0x1e: {  	s7 =	smul.u32 @!p0 $0xF7A, s2;
	p2 =	seq.s32 @!p0 s5, $0x0  }
0x1f: {  	s9 =	smul.u32 $0xF7A, s1;
	s8 =	simm.s32 @!p0 $0x1BF5;
	p2 =	por !p2, p0  }
0x20: {  	[sflag:s8] =	ssyncset.s32 @!p0 $0xFFFFF086;
	s6 =	sadd.s32 @!p0 s3, s7;
	s7 =	simm.s32 @!p0 $0x108  }
0x21: {  	s3 =	sadd.s32 s3, s9;
	s6 =	sadd.s32 @!p0 $0x88, s6;
	s7 =	simm.s32 @p2 $0x1082  }
0x22: {  	[simem:s7], [sflag:s8] =	dma.local @!p0 [hbm:s6], $0xF7A  }
0x23: {  	s9 =	sor.u32 $0xD0000000, s2;
	s6 =	simm.s32 $0x108;
	_ =	swait.ge @!p0 [sflag:s8], $0x0  }
0x24: {  	s3 =	sadd.s32 $0x88, s3;
	s6 =	simm.s32 @!p1 $0x1082;
	[sflag:s4] =	ssyncset.s32 $0xFFFFF086  }
0x25: {  	[simem:s6], [sflag:s4] =	dma.local [hbm:s3], $0xF7A  }
0x26: {  	[smem:$0x3F9E] =	sst s1;
	(tag) =	ssettag s2;
	_ =	strace s9  }
0x27: {  	s1 =	sld [smem:$0x3FAE]  }
0x28: {  	s2 =	sld [smem:$0x3FAF]  }
0x29: {  	s4 =	sld [smem:$0x3FB1]  }
0x2a: {  	p0 =	seq.s32 s5, $0x0;
	s5 =	sld [smem:$0x3FB2]  }
0x2b: {  	s6 =	sld [smem:$0x3FB3]  }
0x2c: {  	s7 =	sld [smem:$0x3FB4]  }
0x2d: {  	s3 =	simm.s32 $0x108;
	s8 =	sld [smem:$0x3FB5]  }
0x2e: {  	s3 =	simm.s32 @!p0 $0x1082;
	s9 =	sld [smem:$0x3FB6]  }
0x2f: {  	lr =	sadd.s32 s0, s3;
	s0 =	sld [smem:$0x3FAD]  }
0x30: {  	s3 =	sld [smem:$0x3FB0]  }
0x31: {  	[smem:$0x3FB9] =	sst s10  }
0x32: {  	s10 =	sld [smem:$0x3FB7];
	_ =	sdelay $0x3  }
0x33: {  	p0 =	seq.s32 s10, $0x1;
	s10 =	sld [smem:$0x3FB9];
	_ =	sdelay $0x3  }
0x34: {  	[smem:$0x3FB9] =	sst s10  }
0x35: {  	s10 =	sld [smem:$0x3FB8];
	_ =	sdelay $0x3  }
0x36: {  	p1 =	seq.s32 s10, $0x1;
	s10 =	sld [smem:$0x3FB9];
	_ =	sdelay $0x3  }
0x37: {  	[smem:$0x3FB9] =	sst s10  }
0x38: {  	s10 =	sld [smem:$0x3FBA]  }
0x39: {  	_ = 	snop;
	(pc) =	sbr.ind lr, $3  }
0x3a: {  	_ = 	snop  }
0x3b: {  	_ = 	snop  }
0x3c: {  	p2 =	seq.s32 s10, $0x1;
	s10 =	sld [smem:$0x3FB9]  }
0x3d: {  	_ =	shalt  }
0x3e: {  	_ =	shalt  }
0x3f: {  	_ =	shalt  }
0x40: {  	_ =	shalt  }
0x41: {  	_ =	shalt  }
0x42: {  	_ =	shalt  }
0x43: {  	_ =	shalt  }
0x44: {  	_ =	shalt  }
0x45: {  	_ =	shalt  }
0x46: {  	_ =	shalt  }
0x47: {  	_ =	shalt  }
0x48: {  	_ =	shalt  }
0x49: {  	_ =	shalt  }
0x4a: {  	_ =	shalt  }
0x4b: {  	_ =	shalt  }
0x4c: {  	_ =	shalt  }
0x4d: {  	_ =	shalt  }
0x4e: {  	_ =	shalt  }
0x4f: {  	_ =	shalt  }
0x50: {  	_ =	shalt  }
0x51: {  	_ =	shalt  }
0x52: {  	_ =	shalt  }
0x53: {  	_ =	shalt  }
0x54: {  	_ =	shalt  }
0x55: {  	_ =	shalt  }
0x56: {  	_ =	shalt  }
0x57: {  	_ =	shalt  }
0x58: {  	_ =	shalt  }
0x59: {  	_ =	shalt  }
0x5a: {  	_ =	shalt  }
0x5b: {  	_ =	shalt  }
0x5c: {  	_ =	shalt  }
0x5d: {  	_ =	shalt  }
0x5e: {  	_ =	shalt  }
0x5f: {  	_ =	shalt  }
0x60: {  	_ =	shalt  }
0x61: {  	_ =	shalt  }
0x62: {  	_ =	shalt  }
0x63: {  	_ =	shalt  }
0x64: {  	_ =	shalt  }
0x65: {  	_ =	shalt  }
0x66: {  	_ =	shalt  }
0x67: {  	_ =	shalt  }
0x68: {  	_ =	shalt  }
0x69: {  	_ =	shalt  }
0x6a: {  	_ =	shalt  }
0x6b: {  	_ =	shalt  }
0x6c: {  	_ =	shalt  }
0x6d: {  	_ =	shalt  }
0x6e: {  	_ =	shalt  }
0x6f: {  	_ =	shalt  }
0x70: {  	_ =	shalt  }
0x71: {  	_ =	shalt  }
0x72: {  	_ =	shalt  }
0x73: {  	_ =	shalt  }
0x74: {  	_ =	shalt  }
0x75: {  	_ =	shalt  }
0x76: {  	_ =	shalt  }
0x77: {  	_ =	shalt  }
0x78: {  	_ =	shalt  }
0x79: {  	_ =	shalt  }
0x7a: {  	_ =	shalt  }
0x7b: {  	_ =	shalt  }
0x7c: {  	_ =	shalt  }
0x7d: {  	_ =	shalt  }
0x7e: {  	_ =	shalt  }
0x7f: {  	_ =	shalt  }
0x80: {  	_ =	shalt  }
0x81: {  	_ =	shalt  }
0x82: {  	_ =	shalt  }
0x83: {  	_ =	shalt  }
0x84: {  	_ =	shalt  }
0x85: {  	_ =	shalt  }
0x86: {  	_ =	shalt  }
0x87: {  	_ =	shalt  }
.Lfunc_end0:
.L_simem_size_0:
called_computation_lowered:
.L_overlay_start_0:
0x88: {  	s2 =	sld [smem:$0x3FD9]  }
0x89: {  	s3 =	sld [smem:$0x3FFE];
	_ =	sdelay $0x1  }
0x8a: {  	s1 =	srdreg.scid  }
0x8b: {  	s0 =	sand.u32 $0x1, s1  }
0x8c: {  	s17 =	sshll.u32 s0, $0xA;
	s2 =	sadd.s32 s3, s2  }
0x8d: {  	s2 =	sadd.s32 s2, s17  }
0x8e: {  	[smem:$0x3FC5] =	sst s2  }
0x8f: {  	_ = 	snop  }
0x90: {  	s2 =	sld [smem:$0x3FC8]  }
0x91: {  	s18 =	sld [smem:$0x3FD0];
	(tm) =	ssettm $0x1  }
0x92: {  	s4 =	sld [smem:$0x3FFB];
	_ =	sdelay $0x3  }
0x93: {  	_ =	strace s4  }
0x94: {  	s4 =	sld [smem:$0x3FFC];
	_ =	sdelay $0x3  }
0x95: {  	_ =	strace s4  }
0x96: {  	s4 =	sld [smem:$0x3FFD];
	_ =	sdelay $0x3  }
0x97: {  	_ =	strace s4  }
0x98: {  	_ =	strace $0x8FFFFFFF  }
0x99: {  	s19 =	sld [smem:$0x3FDB];
	_ =	sdelay $0x1  }
0x9a: {  	s5 =	simm.s32 $_scs_section_size  }
0x9b: {  	s6 =	simm.s32 $_size__tile_overlayer_lowered;
	s7 =	simm.s32 $_tile_overlayer_lowered  }
0x9c: {  	s22 =	simm.s32 $0x1BFF;
	s21 =	sshll.u32 s7, $0x1;
	s4 =	sadd.s32 s5, s19  }
0x9d: {  	s8 =	simm.s32 $0x0;
	s20 =	sshll.u32 s6, $0x1;
	s6 =	sadd.s32 s21, s4  }
0x9e: {  	[timem:s8], [sflag:s22] =	dma.local [hbm:s6], s20  }
0x9f: {  	_ =	swait.ge [sflag:s22], s20  }
0xa0: {  	s5 =	ssub.s32 $0x0, s20;
	[sflag:s22] =	ssyncset.done $0x0  }
0xa1: {  	[sflag:s22] =	ssyncadd.s32 s5;
	_ =	sdelay $0x1  }
0xa2: {  	s23 =	simm.s32 $0x1B8B  }
0xa3: {  	_ =	swait.ge [sflag:s23], $0x1  }
0xa4: {  	[sflag:s23] =	ssyncset.done $0x0  }
0xa5: {  	s25 =	simm.s32 $0x1B8E;
	s24 =	sld [smem:$0x3FFE];
	[sflag:s23] =	ssyncadd.s32 $0xFFFFFFFF  }
0xa6: {  	s26 =	simm.s32 $execute0_lowered;
	[smem:$0x3FD2] =	sst s25  }
0xa7: {  	s6 =	sshll.u32 s26, $0x1;
	_ =	strace $0x80000046;
	[dreg:$0x1] =	wrdreg $0xFFFFFFFF  }
0xa8: {  	s28 =	simm.s32 $_size_execute0_lowered;
	s4 =	sadd.s32 s4, s6;
	[dreg:$0x0] =	wrdreg $0x0  }
0xa9: {  	s6 =	sshll.u32 s28, $0x1;
	[dreg:$0x2] =	wrdreg s4  }
0xaa: {  	[dreg:$0x3] =	wrdreg s6  }
0xab: {  	[dreg:$0x4] =	wrdreg $0xC0  }
0xac: {  	_ =	task [dreg:s8], $0x5FFFF  }
0xad: {  	[dreg:$0x1] =	wrdreg $0xFFFFFFFF  }
0xae: {  	[dreg:$0x0] =	wrdreg $0x60  }
0xaf: {  	[dreg:$0x2] =	wrdreg s24  }
0xb0: {  	[dreg:$0x3] =	wrdreg s2  }
0xb1: {  	[dreg:$0x4] =	wrdreg s18  }
0xb2: {  	[dreg:$0x5] =	wrdreg $0x9  }
0xb3: {  	_ =	task.clear_ibuf [dreg:s8], $0x6FFFF;
	_ =	strace $0x90000046  }
0xb4: {  	s29 =	simm.s32 $0x9;
	_ =	strace $0x80000048  }
0xb5: {  	_ =	swait.ge [sflag:s29], $0x1  }
0xb6: {  	[sflag:s29] =	ssyncadd.s32 $0xFFFFFFFF  }
0xb7: {  	_ =	strace $0x90000048  }
0xb8: {  	_ =	sfence  }
0xb9: {  	s30 =	sld [smem:$0x0];
	_ =	sdelay $0x2  }
0xba: {  	s31 =	sshll.u32 s1, $0xD;
	s1 =	sshrl.u32 s1, $0x2  }
0xbb: {  	s3 =	sand.u32 $0x4000, s31;
	s1 =	sadd.s32 s1, s30  }
0xbc: {  	s0 =	sor.u32 s3, s0;
	s1 =	sshll.u32 s1, $0x11  }
0xbd: {  	s0 =	sor.u32 s1, s0  }
0xbe: {  	s0 =	sadd.s32 $0x8F2B, s0  }
0xbf: {  	[sflag:s0] =	ssyncadd.remote.s32 $0x1  }
0xc0: {  	_ =	sfence.sel $0xFFFF  }
0xc1: {  	[dreg:$0x0] =	wrdreg $0xFFFFFFFF;
	(pc) =	sbr.abs _section_cstart, $3  }
0xc2: {  	[dreg:$0x1] =	wrdreg $0xFFFFFFFF  }
0xc3: {  	_ =	task.clear_ibuf [dreg:s8], $0x2FFFF;
	_ =	strace $0x9FFFFFFF  }
0xc4: {  	(tm) =	ssettm $0x7FFFFFFF  }
0xc5: {  	_ =	shalt  }
tec
execute0_lowered:
.L_overlay_start_1:
0x0: {  	(tag) =	ssettag $0x1  }
0x1: {  	s5 =	rddreg [dreg:$0x0]  }
0x2: {  	s2 =	rddreg [dreg:$0x1];
	s1 =	srdreg.scid  }
0x3: {  	s0 =	stileid.u32;
	s3 =	rddreg [dreg:$0x2];
	s4 =	simm.s32 $0x0  }
0x4: {  	s10 =	simm.s32 $0x1A100;
	s11 =	simm.s32 $0x1A180;
	s12 =	simm.s32 $0x1A00  }
0x5: {  	s13 =	simm.s32 $0x1A200;
	s14 =	simm.s32 $0x1A220;
	s15 =	simm.s32 $0x0  }
0x6: {  	s6 =	sand.u32 $0x1, s1;
	s7 =	sshll.u32 s0, $0x1;
	s1 =	rddreg [dreg:$0x3]  }
0x7: {  	[smem:$0x7FF] =	sst s4;
	s7 =	sor.u32 s6, s7;
	s6 =	ssub.s32 $0x2, s6  }
0x8: {  	s8 =	smul.u32 $0x340, s7;
	s7 =	sshll.u32 s7, $0x2;
	s31 =	sshrl.u32 s6, $0x1  }
0x9: {  	_ =	strace $0x80000047;
	s7 =	sadd.s32 s7, s5;
	s9 =	ssub.s32 s6, s31  }
0xa: {  	s8 =	sadd.s32 s8, s5;
	s6 =	sadd.s32 $0x6C00, s7;
	s7 =	sadd.s32 $0x6C80, s7  }
0xb: {  	v0 =	vlaneseq.u32;
	v1 =	vimm.s32 $0x0;
	v2 =	vimm.f32 $0.0e+00;
	s5 =	sadd.s32 $0x400, s8;
	s8 =	smax.u32 s9, $0x1;
	s9 =	simm.s32 $0x1  }
.LBB2_1:
0xc: {  	[tilespmem:s4], [sflag:$0x1] =	stream.linear.gather [hbm4b:s5+s4], $0x1A00, $0x38;
	[tilespmem:$0x1A280] =	vst v63  }
0xd: {  	_ =	swait.ge [sflag:s9], $0x1A00  }
0xe: {  	[sflag:s9] =	ssyncset.done $0x0  }
0xf: {  	[sflag:s9] =	ssyncadd.s32 $0xFFFFE600  }
0x10: {  	[tilespmem:s10], [sflag:$0x1] =	stream.linear.gather [hbm4b:s2+s4], $0x10, $0x38;
	[tilespmem:$0x1A280] =	vst v63  }
0x11: {  	_ =	swait.ge [sflag:s9], $0x10  }
0x12: {  	[sflag:s9] =	ssyncset.done $0x0  }
0x13: {  	[sflag:s9] =	ssyncadd.s32 $0xFFFFFFF0  }
0x14: {  	[tilespmem:s11], [sflag:$0x1] =	stream.linear.gather [hbm4b:s3+s4], $0x80, $0x38;
	[tilespmem:$0x1A280] =	vst v63  }
0x15: {  	_ =	swait.ge [sflag:s9], $0x80  }
0x16: {  	[sflag:s9] =	ssyncset.done $0x0  }
0x17: {  	s16 =	simm.s32 $0x60;
	[sflag:s9] =	ssyncadd.s32 $0xFFFFFF80  }
0x18: {  	v3 =	vld [tilespmem:s16+$0xFFFFFFA0];
	_ =	sdelay $0x6  }
0x19: {  	v4 =	vor.u32 s4, v0  }
0x1a: {  	[tilespmem:v3+s12+$0x0] =	vst.idx.msk $0xffff, v4  }
0x1b: {  	v5 =	vld [tilespmem:s16+$0xFFFFFFB0];
	_ =	sdelay $0x5  }
0x1c: {  	s17 =	simm.s32 $0x10  }
0x1d: {  	v8 =	vor.u32 s17, v0  }
0x1e: {  	[tilespmem:v5+s12+$0x0] =	vst.idx.msk $0xffff, v8  }
0x1f: {  	v6 =	vld [tilespmem:s16+$0xFFFFFFC0];
	_ =	sdelay $0x5  }
0x20: {  	s31 =	simm.s32 $0x20  }
0x21: {  	v9 =	vor.u32 s31, v0  }
0x22: {  	[tilespmem:v6+s12+$0x0] =	vst.idx.msk $0xffff, v9  }
0x23: {  	v7 =	vld [tilespmem:s16+$0xFFFFFFD0];
	_ =	sdelay $0x5  }
0x24: {  	s18 =	simm.s32 $0x30  }
0x25: {  	v10 =	vor.u32 s18, v0  }
0x26: {  	[tilespmem:v7+s12+$0x0] =	vst.idx.msk $0xffff, v10  }
0x27: {  	v11 =	vld [tilespmem:s16+$0xFFFFFFE0];
	_ =	sdelay $0x5  }
0x28: {  	s19 =	simm.s32 $0x40  }
0x29: {  	v12 =	vor.u32 s19, v0  }
0x2a: {  	[tilespmem:v11+s12+$0x0] =	vst.idx.msk $0xffff, v12  }
0x2b: {  	v13 =	vld [tilespmem:s16+$0xFFFFFFF0];
	_ =	sdelay $0x5  }
0x2c: {  	s20 =	simm.s32 $0x50  }
0x2d: {  	v14 =	vor.u32 s20, v0  }
0x2e: {  	[tilespmem:v13+s12+$0x0] =	vst.idx.msk $0xffff, v14  }
0x2f: {  	v15 =	vld [tilespmem:s16+$0x0];
	_ =	sdelay $0x5  }
0x30: {  	s21 =	simm.s32 $0x60  }
0x31: {  	v16 =	vor.u32 s21, v0  }
0x32: {  	[tilespmem:v15+s12+$0x0] =	vst.idx.msk $0xffff, v16  }
0x33: {  	v17 =	vld [tilespmem:s16+$0x10];
	_ =	sdelay $0x5  }
0x34: {  	s22 =	simm.s32 $0x70;
	s18 =	simm.s32 $0x80  }
0x35: {  	v18 =	vor.u32 s22, v0;
	s19 =	sand.u32 $0x70, s4;
	s23 =	sand.u32 $0x3F80, s18  }
0x36: {  	s17 =	sor.u32 s19, s23;
	[tilespmem:v17+s12+$0x0] =	vst.idx.msk $0xffff, v18  }
0x37: {  	v19 =	vld [tilespmem:s17+$0x0];
	_ =	sdelay $0x6  }
0x38: {  	v20 =	vor.u32 s18, v0  }
0x39: {  	[tilespmem:v19+s12+$0x0] =	vst.idx.msk $0xffff, v20  }
0x3a: {  	v21 =	vld [tilespmem:s16+$0x30];
	_ =	sdelay $0x5  }
0x3b: {  	s24 =	simm.s32 $0x90  }
0x3c: {  	v22 =	vor.u32 s24, v0  }
0x3d: {  	[tilespmem:v21+s12+$0x0] =	vst.idx.msk $0xffff, v22  }
0x3e: {  	v23 =	vld [tilespmem:s16+$0x40];
	_ =	sdelay $0x5  }
0x3f: {  	s25 =	simm.s32 $0xA0  }
0x40: {  	v24 =	vor.u32 s25, v0  }
0x41: {  	[tilespmem:v23+s12+$0x0] =	vst.idx.msk $0xffff, v24  }
0x42: {  	v25 =	vld [tilespmem:s16+$0x50];
	_ =	sdelay $0x5  }
0x43: {  	s26 =	simm.s32 $0xB0  }
0x44: {  	v26 =	vor.u32 s26, v0  }
0x45: {  	[tilespmem:v25+s12+$0x0] =	vst.idx.msk $0xffff, v26  }
0x46: {  	v27 =	vld [tilespmem:s16+$0x60];
	_ =	sdelay $0x5  }
0x47: {  	s28 =	simm.s32 $0xC0  }
0x48: {  	v28 =	vor.u32 s28, v0  }
0x49: {  	[tilespmem:v27+s12+$0x0] =	vst.idx.msk $0xffff, v28  }
0x4a: {  	v13 =	vld.idx.msk [tilespmem:v13+s12+$0x0], $0xffff  }
0x4b: {  	v11 =	vld.idx.msk [tilespmem:v11+s12+$0x0], $0xffff  }
0x4c: {  	v29 =	vld.idx.msk [tilespmem:v7+s12+$0x0], $0xffff  }
0x4d: {  	v30 =	vld.idx.msk [tilespmem:v6+s12+$0x0], $0xffff  }
0x4e: {  	v3 =	vld.idx.msk [tilespmem:v3+s12+$0x0], $0xffff  }
0x4f: {  	s18 =	simm.s32 $0x130;
	v31 =	vld.idx.msk [tilespmem:v5+s12+$0x0], $0xffff  }
0x50: {  	v6 =	vld [tilespmem:s18+$0xFFFFFFA0]  }
0x51: {  	v15 =	vld.idx.msk [tilespmem:v15+s12+$0x0], $0xffff  }
0x52: {  	v17 =	vld.idx.msk [tilespmem:v17+s12+$0x0], $0xffff  }
0x53: {  	s19 =	simm.s32 $0xD0;
	v19 =	vld.idx.msk [tilespmem:v19+s12+$0x0], $0xffff  }
0x54: {  	v21 =	vld.idx.msk [tilespmem:v21+s12+$0x0], $0xffff;
	v5 =	vor.u32 s19, v0  }
0x55: {  	v23 =	vld.idx.msk [tilespmem:v23+s12+$0x0], $0xffff;
	vm0 =	veq.s32 v30, v9;
	vm2 =	veq.s32 v3, v4;
	vm3 =	veq.s32 v31, v8  }
0x56: {  	s29 =	simm.s32 $0xE0;
	v25 =	vld.idx.msk [tilespmem:v25+s12+$0x0], $0xffff;
	vm1 =	veq.s32 v29, v10;
	v3 =	vsel vm2, $0x1, v1;
	v4 =	vsel vm3, $0x1, v1  }
0x57: {  	v27 =	vld.idx.msk [tilespmem:v27+s12+$0x0], $0xffff;
	v8 =	vor.u32 s29, v0;
	v3 =	vadd.s32 v3, v4;
	v4 =	vsel vm0, $0x1, v1  }
0x58: {  	vm7 =	veq.s32 v11, v12;
	v10 =	vsel vm1, $0x1, v1;
	[tilespmem:v6+s12+$0x0] =	vst.idx.msk $0xffff, v5;
	v3 =	vadd.s32 v4, v3  }
0x59: {  	vm8 =	veq.s32 v13, v14;
	v4 =	vsel vm7, $0x1, v1;
	v7 =	vld [tilespmem:s18+$0xFFFFFFB0];
	v3 =	vadd.s32 v10, v3  }
0x5a: {  	vm9 =	veq.s32 v15, v16;
	v11 =	vsel vm8, $0x1, v1;
	v3 =	vadd.s32 v4, v3  }
0x5b: {  	vm10 =	veq.s32 v17, v18;
	v4 =	vsel vm9, $0x1, v1;
	v3 =	vadd.s32 v11, v3  }
0x5c: {  	vm11 =	veq.s32 v19, v20;
	v3 =	vadd.s32 v4, v3;
	v4 =	vsel vm10, $0x1, v1  }
0x5d: {  	vm12 =	veq.s32 v21, v22;
	v3 =	vadd.s32 v4, v3;
	v4 =	vsel vm11, $0x1, v1  }
0x5e: {  	vm13 =	veq.s32 v23, v24;
	v3 =	vadd.s32 v4, v3;
	v4 =	vsel vm12, $0x1, v1  }
0x5f: {  	vm14 =	veq.s32 v25, v26;
	v3 =	vadd.s32 v4, v3;
	v4 =	vsel vm13, $0x1, v1  }
0x60: {  	vm15 =	veq.s32 v27, v28;
	v3 =	vadd.s32 v4, v3;
	v4 =	vsel vm14, $0x1, v1  }
0x61: {  	[tilespmem:v7+s12+$0x0] =	vst.idx.msk $0xffff, v8;
	v3 =	vadd.s32 v4, v3;
	v4 =	vsel vm15, $0x1, v1  }
0x62: {  	v9 =	vld [tilespmem:s18+$0xFFFFFFC0];
	v3 =	vadd.s32 v4, v3  }
0x63: {  	(xrf0) =	vadd.scan.msk.s32 $0xffff, v3;
	_ =	sdelay $0x4  }
0x64: {  	s30 =	simm.s32 $0xF0  }
0x65: {  	v10 =	vor.u32 s30, v0;
	v3, _, _ =	vpop (xrf0)  }
0x66: {  	[tilespmem:v9+s12+$0x0] =	vst.idx.msk $0xffff, v10;
	(v2sf) =	vpush v3, $0xF  }
0x67: {  	v12 =	vld [tilespmem:s18+$0xFFFFFFD0];
	_ =	sdelay $0x5  }
0x68: {  	s31 =	simm.s32 $0x100  }
0x69: {  	v11 =	vor.u32 s31, v0  }
0x6a: {  	[tilespmem:v12+s12+$0x0] =	vst.idx.msk $0xffff, v11  }
0x6b: {  	v13 =	vld [tilespmem:s18+$0xFFFFFFE0];
	_ =	sdelay $0x2  }
0x6c: {  	s22 =	simm.s32 $0x1A0;
	s17 =	simm.s32 $0x0;
	s16 =	simm.s32 $0x1;
	v4 =	vimm.s32 $0x0;
	v3 =	vimm.s32 $0x0  }
.LBB2_2:
0x6d: {  	s23 =	sand.u32 $0xF, s17  }
0x6e: {  	s24 =	spop (v2sf);
	s21 =	smov.u32 s22;
	s20 =	sadd.s32 $0xD0, s22  }
0x6f: {  	p0 =	sne.s32 s22, $0x1930;
	s22 =	sadd.s32 $0x40, s19;
	s24 =	sadd.s32 $0xFFFFFFF8, s24;
	v15 =	vmov s23  }
0x70: {  	v14 =	vor.u32 s22, v0;
	vm0 =	veq.s32 v15, v0;
	v15 =	vmov s24  }
0x71: {  	p1 =	slt.u32 s17, $0x10;
	s17 =	smov.u32 s16;
	[tilespmem:v13+s12+$0x0] =	vst.idx.msk $0xffff, v14;
	v15 =	vnsel vm0, $0x0, v15  }
0x72: {  	v16 =	vld [tilespmem:s18+$0xFFFFFFF0];
	v17 =	vpsel !p1, $0x0, v15;
	v15 =	vpsel p1, $0x0, v15  }
0x73: {  	v4 =	vadd.s32 v4, v17;
	v3 =	vadd.s32 v3, v15;
	_ =	sdelay $0x4  }
0x74: {  	s22 =	sadd.s32 $0x50, s19  }
0x75: {  	v15 =	vor.u32 s22, v0  }
0x76: {  	[tilespmem:v16+s12+$0x0] =	vst.idx.msk $0xffff, v15  }
0x77: {  	v17 =	vld [tilespmem:s18+$0x0];
	_ =	sdelay $0x5  }
0x78: {  	s22 =	sadd.s32 $0x60, s19  }
0x79: {  	v18 =	vor.u32 s22, v0  }
0x7a: {  	[tilespmem:v17+s12+$0x0] =	vst.idx.msk $0xffff, v18  }
0x7b: {  	v19 =	vld [tilespmem:s18+$0x10];
	_ =	sdelay $0x5  }
0x7c: {  	s23 =	sadd.s32 $0x80, s19;
	s22 =	sadd.s32 $0x70, s19  }
0x7d: {  	s24 =	sand.u32 $0x70, s19;
	v20 =	vor.u32 s22, v0;
	s22 =	sand.u32 $0x3F80, s23  }
0x7e: {  	s22 =	sor.u32 s24, s22;
	[tilespmem:v19+s12+$0x0] =	vst.idx.msk $0xffff, v20  }
0x7f: {  	v21 =	vld [tilespmem:s22+$0x0];
	_ =	sdelay $0x6  }
0x80: {  	v22 =	vor.u32 s23, v0  }
0x81: {  	[tilespmem:v21+s12+$0x0] =	vst.idx.msk $0xffff, v22  }
0x82: {  	v23 =	vld [tilespmem:s18+$0x30];
	_ =	sdelay $0x5  }
0x83: {  	s22 =	sadd.s32 $0x90, s19  }
0x84: {  	v24 =	vor.u32 s22, v0  }
0x85: {  	[tilespmem:v23+s12+$0x0] =	vst.idx.msk $0xffff, v24  }
0x86: {  	v25 =	vld [tilespmem:s18+$0x40];
	_ =	sdelay $0x5  }
0x87: {  	s22 =	sadd.s32 $0xA0, s19  }
0x88: {  	v26 =	vor.u32 s22, v0  }
0x89: {  	[tilespmem:v25+s12+$0x0] =	vst.idx.msk $0xffff, v26  }
0x8a: {  	v27 =	vld [tilespmem:s18+$0x50];
	_ =	sdelay $0x5  }
0x8b: {  	s22 =	sadd.s32 $0xB0, s19  }
0x8c: {  	v28 =	vor.u32 s22, v0  }
0x8d: {  	[tilespmem:v27+s12+$0x0] =	vst.idx.msk $0xffff, v28  }
0x8e: {  	v29 =	vld [tilespmem:s18+$0x60];
	_ =	sdelay $0x5  }
0x8f: {  	s22 =	sadd.s32 $0xC0, s19;
	s19 =	smov.u32 s21  }
0x90: {  	v30 =	vor.u32 s22, v0  }
0x91: {  	[tilespmem:v29+s12+$0x0] =	vst.idx.msk $0xffff, v30  }
0x92: {  	v16 =	vld.idx.msk [tilespmem:v16+s12+$0x0], $0xffff  }
0x93: {  	v13 =	vld.idx.msk [tilespmem:v13+s12+$0x0], $0xffff  }
0x94: {  	v12 =	vld.idx.msk [tilespmem:v12+s12+$0x0], $0xffff  }
0x95: {  	v9 =	vld.idx.msk [tilespmem:v9+s12+$0x0], $0xffff  }
0x96: {  	v31 =	vld.idx.msk [tilespmem:v6+s12+$0x0], $0xffff  }
0x97: {  	s18 =	sadd.s32 $0xD0, s18;
	v7 =	vld.idx.msk [tilespmem:v7+s12+$0x0], $0xffff  }
0x98: {  	v6 =	vld [tilespmem:s18+$0xFFFFFFA0]  }
0x99: {  	v17 =	vld.idx.msk [tilespmem:v17+s12+$0x0], $0xffff  }
0x9a: {  	v19 =	vld.idx.msk [tilespmem:v19+s12+$0x0], $0xffff  }
0x9b: {  	v32 =	vor.u32 s19, v0;
	vm1 =	veq.s32 v12, v11;
	vm0 =	veq.s32 v9, v10;
	v9 =	vld.idx.msk [tilespmem:v21+s12+$0x0], $0xffff  }
0x9c: {  	v10 =	vsel vm1, $0x1, v1;
	vm1 =	veq.s32 v13, v14;
	vm2 =	veq.s32 v31, v5;
	v5 =	vmovc v32;
	v11 =	vld.idx.msk [tilespmem:v23+s12+$0x0], $0xffff  }
0x9d: {  	vm3 =	veq.s32 v7, v8;
	v8 =	vsel vm1, $0x1, v1;
	vm1 =	veq.s32 v16, v15;
	v12 =	vld.idx.msk [tilespmem:v25+s12+$0x0], $0xffff  }
0x9e: {  	v7 =	vsel vm2, $0x1, v1;
	v13 =	vsel vm3, $0x1, v1;
	v14 =	vsel vm1, $0x1, v1;
	v15 =	vld.idx.msk [tilespmem:v27+s12+$0x0], $0xffff  }
0x9f: {  	v7 =	vadd.s32 v7, v13;
	v13 =	vsel vm0, $0x1, v1;
	vm0 =	veq.s32 v17, v18;
	v16 =	vld.idx.msk [tilespmem:v29+s12+$0x0], $0xffff  }
0xa0: {  	v13 =	vadd.s32 v13, v7;
	vm1 =	veq.s32 v19, v20;
	[tilespmem:v6+s12+$0x0] =	vst.idx.msk $0xffff, v5  }
0xa1: {  	v10 =	vadd.s32 v10, v13;
	vm2 =	veq.s32 v9, v22;
	v7 =	vld [tilespmem:s18+$0xFFFFFFB0]  }
0xa2: {  	v8 =	vadd.s32 v8, v10;
	vm3 =	veq.s32 v11, v24  }
0xa3: {  	v9 =	vsel vm0, $0x1, v1;
	v8 =	vadd.s32 v14, v8;
	vm0 =	veq.s32 v12, v26  }
0xa4: {  	v8 =	vadd.s32 v9, v8;
	v9 =	vsel vm1, $0x1, v1;
	vm1 =	veq.s32 v15, v28  }
0xa5: {  	v8 =	vadd.s32 v9, v8;
	v9 =	vsel vm2, $0x1, v1;
	vm2 =	veq.s32 v16, v30  }
0xa6: {  	v8 =	vadd.s32 v9, v8;
	v9 =	vsel vm3, $0x1, v1  }
0xa7: {  	s21 =	sadd.s32 $0x10, s19;
	v10 =	vsel vm0, $0x1, v1;
	v9 =	vadd.s32 v9, v8  }
0xa8: {  	v8 =	vor.u32 s21, v0;
	v9 =	vadd.s32 v10, v9;
	v10 =	vsel vm1, $0x1, v1  }
0xa9: {  	v11 =	vsel vm2, $0x1, v1;
	v10 =	vadd.s32 v10, v9;
	[tilespmem:v7+s12+$0x0] =	vst.idx.msk $0xffff, v8  }
0xaa: {  	v10 =	vadd.s32 v11, v10;
	v9 =	vld [tilespmem:s18+$0xFFFFFFC0]  }
0xab: {  	(xrf0) =	vadd.scan.msk.s32 $0xffff, v10;
	_ =	sdelay $0x4  }
0xac: {  	s21 =	sadd.s32 $0x20, s19  }
0xad: {  	v10 =	vor.u32 s21, v0;
	v11, _, _ =	vpop (xrf0)  }
0xae: {  	[tilespmem:v9+s12+$0x0] =	vst.idx.msk $0xffff, v10;
	(v2sf) =	vpush v11, $0xF  }
0xaf: {  	v12 =	vld [tilespmem:s18+$0xFFFFFFD0];
	_ =	sdelay $0x5  }
0xb0: {  	s21 =	sadd.s32 $0x30, s19  }
0xb1: {  	v11 =	vor.u32 s21, v0  }
0xb2: {  	[tilespmem:v12+s12+$0x0] =	vst.idx.msk $0xffff, v11  }
.Ltmp0:
0xb3: {  	v13 =	vld [tilespmem:s18+$0xFFFFFFE0];
	(pc) =	sbr.rel @p0 .LBB2_2-.Ltmp0, $2  }
0xb4: {  	_ =	sdelay $0x2  }
0xb5: {  	s16 =	sadd.s32 $0x1, s16;
	s22 =	smov.u32 s20  }
0xb6: {  	_ =	sdelay $0x1  }
0xb7: {  	s20 =	sadd.s32 $0x40, s19  }
0xb8: {  	v14 =	vor.u32 s20, v0  }
0xb9: {  	[tilespmem:v13+s12+$0x0] =	vst.idx.msk $0xffff, v14  }
0xba: {  	v15 =	vld [tilespmem:s18+$0xFFFFFFF0];
	_ =	sdelay $0x5  }
0xbb: {  	s28 =	sadd.s32 $0x50, s19  }
0xbc: {  	v16 =	vor.u32 s28, v0  }
0xbd: {  	[tilespmem:v15+s12+$0x0] =	vst.idx.msk $0xffff, v16  }
0xbe: {  	v17 =	vld [tilespmem:s18+$0x0];
	_ =	sdelay $0x5  }
0xbf: {  	s29 =	sadd.s32 $0x60, s19  }
0xc0: {  	v18 =	vor.u32 s29, v0  }
0xc1: {  	[tilespmem:v17+s12+$0x0] =	vst.idx.msk $0xffff, v18  }
0xc2: {  	v19 =	vld [tilespmem:s18+$0x10];
	_ =	sdelay $0x5  }
0xc3: {  	s30 =	sadd.s32 $0x70, s19;
	s21 =	sadd.s32 $0x80, s19  }
0xc4: {  	s22 =	sand.u32 $0x70, s19;
	v20 =	vor.u32 s30, v0;
	s31 =	sand.u32 $0x3F80, s21  }
0xc5: {  	s20 =	sor.u32 s22, s31;
	[tilespmem:v19+s12+$0x0] =	vst.idx.msk $0xffff, v20  }
0xc6: {  	v21 =	vld [tilespmem:s20+$0x0];
	_ =	sdelay $0x6  }
0xc7: {  	v22 =	vor.u32 s21, v0  }
0xc8: {  	[tilespmem:v21+s12+$0x0] =	vst.idx.msk $0xffff, v22  }
0xc9: {  	v23 =	vld [tilespmem:s18+$0x30];
	_ =	sdelay $0x5  }
0xca: {  	s22 =	sadd.s32 $0x90, s19  }
0xcb: {  	v24 =	vor.u32 s22, v0  }
0xcc: {  	[tilespmem:v23+s12+$0x0] =	vst.idx.msk $0xffff, v24  }
0xcd: {  	v25 =	vld [tilespmem:s18+$0x40];
	_ =	sdelay $0x5  }
0xce: {  	s23 =	sadd.s32 $0xA0, s19  }
0xcf: {  	v26 =	vor.u32 s23, v0  }
0xd0: {  	[tilespmem:v25+s12+$0x0] =	vst.idx.msk $0xffff, v26  }
0xd1: {  	v27 =	vld [tilespmem:s18+$0x50];
	_ =	sdelay $0x5  }
0xd2: {  	s24 =	sadd.s32 $0xB0, s19  }
0xd3: {  	v28 =	vor.u32 s24, v0  }
0xd4: {  	[tilespmem:v27+s12+$0x0] =	vst.idx.msk $0xffff, v28  }
0xd5: {  	v29 =	vld [tilespmem:s18+$0x60];
	_ =	sdelay $0x5  }
0xd6: {  	s25 =	sadd.s32 $0xC0, s19  }
0xd7: {  	v30 =	vor.u32 s25, v0  }
0xd8: {  	[tilespmem:v29+s12+$0x0] =	vst.idx.msk $0xffff, v30  }
0xd9: {  	v6 =	vld.idx.msk [tilespmem:v6+s12+$0x0], $0xffff  }
0xda: {  	v7 =	vld.idx.msk [tilespmem:v7+s12+$0x0], $0xffff  }
0xdb: {  	v9 =	vld.idx.msk [tilespmem:v9+s12+$0x0], $0xffff  }
0xdc: {  	v12 =	vld.idx.msk [tilespmem:v12+s12+$0x0], $0xffff  }
0xdd: {  	v13 =	vld.idx.msk [tilespmem:v13+s12+$0x0], $0xffff  }
0xde: {  	v15 =	vld.idx.msk [tilespmem:v15+s12+$0x0], $0xffff  }
0xdf: {  	v17 =	vld.idx.msk [tilespmem:v17+s12+$0x0], $0xffff;
	vm0 =	veq.s32 v6, v5;
	vm1 =	veq.s32 v7, v8  }
0xe0: {  	v31 =	vld.idx.msk [tilespmem:v19+s12+$0x0], $0xffff;
	vm2 =	veq.s32 v9, v10;
	v6 =	vsel vm0, $0x1, v1;
	v7 =	vsel vm1, $0x1, v1  }
0xe1: {  	v32 =	vld.idx.msk [tilespmem:v21+s12+$0x0], $0xffff;
	vm14 =	veq.s32 v12, v11;
	v33 =	vsel vm2, $0x1, v1;
	v6 =	vadd.s32 v6, v7  }
0xe2: {  	v35 =	vld.idx.msk [tilespmem:v23+s12+$0x0], $0xffff;
	vm15 =	veq.s32 v13, v14;
	v34 =	vsel vm14, $0x1, v1;
	v6 =	vadd.s32 v33, v6  }
0xe3: {  	v37 =	vld.idx.msk [tilespmem:v25+s12+$0x0], $0xffff;
	vm4 =	veq.s32 v15, v16;
	v36 =	vsel vm15, $0x1, v1;
	v6 =	vadd.s32 v34, v6  }
0xe4: {  	v39 =	vld.idx.msk [tilespmem:v27+s12+$0x0], $0xffff;
	vm5 =	veq.s32 v17, v18;
	v38 =	vsel vm4, $0x1, v1;
	v6 =	vadd.s32 v36, v6  }
0xe5: {  	v40 =	vld.idx.msk [tilespmem:v29+s12+$0x0], $0xffff;
	vm6 =	veq.s32 v31, v20;
	v42 =	vsel vm5, $0x1, v1;
	v41 =	vadd.s32 v38, v6  }
0xe6: {  	vm7 =	veq.s32 v32, v22;
	v43 =	vsel vm6, $0x1, v1;
	v5 =	vadd.s32 v42, v41  }
0xe7: {  	vm8 =	veq.s32 v35, v24;
	v44 =	vsel vm7, $0x1, v1;
	v5 =	vadd.s32 v43, v5  }
0xe8: {  	vm9 =	veq.s32 v37, v26;
	v45 =	vsel vm8, $0x1, v1;
	v5 =	vadd.s32 v44, v5  }
0xe9: {  	vm10 =	veq.s32 v39, v28;
	v46 =	vsel vm9, $0x1, v1;
	v5 =	vadd.s32 v45, v5  }
0xea: {  	vm11 =	veq.s32 v40, v30;
	v47 =	vsel vm10, $0x1, v1;
	v5 =	vadd.s32 v46, v5  }
0xeb: {  	v48 =	vsel vm11, $0x1, v1;
	v5 =	vadd.s32 v47, v5  }
0xec: {  	v5 =	vadd.s32 v48, v5  }
0xed: {  	(xrf0) =	vadd.scan.msk.s32 $0xffff, v5;
	_ =	sdelay $0x5  }
0xee: {  	v5, _, _ =	vpop (xrf0)  }
0xef: {  	(v2sf) =	vpush v5, $0xF;
	_ =	sdelay $0xd  }
0xf0: {  	s26 =	spop (v2sf);
	s28 =	sand.u32 $0xF, s17  }
0xf1: {  	s29 =	sand.u32 $0xF, s16;
	v49 =	vmov s28;
	s18 =	sadd.s32 $0xFFFFFFF8, s26;
	s30 =	spop (v2sf)  }
0xf2: {  	v51 =	vmov s29;
	vm12 =	veq.s32 v49, v0;
	v50 =	vmov s18;
	s31 =	sadd.s32 $0xFFFFFFF8, s30  }
0xf3: {  	p0 =	slt.u32 s17, $0x10;
	vm13 =	veq.s32 v51, v0;
	v5 =	vnsel vm12, $0x0, v50;
	v52 =	vmov s31  }
0xf4: {  	p1 =	slt.u32 s16, $0x10;
	v53 =	vld [tilespmem:$0x1A100];
	v54 =	vpsel !p0, $0x0, v5;
	v6 =	vnsel vm13, $0x0, v52  }
0xf5: {  	v5 =	vpsel p0, $0x0, v5;
	v4 =	vadd.s32 v4, v54;
	v55 =	vpsel !p1, $0x0, v6  }
0xf6: {  	v3 =	vadd.s32 v3, v5;
	v56 =	vpsel p1, $0x0, v6;
	v4 =	vadd.s32 v4, v55  }
0xf7: {  	v3 =	vadd.s32 v3, v56;
	v4 =	vcvt.s32.f32 v4  }
0xf8: {  	v3 =	vcvt.s32.f32 v3  }
0xf9: {  	v57 =	vbroadcast v53, $0x0;
	v58 =	vbroadcast v53, $0x1;
	v59 =	vsub.f32 $1.000000000e+05, v4  }
0xfa: {  	v60 =	vld [tilespmem:$0x1A180];
	v61 =	vsub.f32 $1.000000000e+05, v3  }
0xfb: {  	v4 =	vmul.f32 v4, v58;
	v7 =	vmul.f32 v57, v59  }
0xfc: {  	v3 =	vmul.f32 v3, v58;
	v5 =	vmul.f32 v57, v61  }
0xfd: {  	v4 =	vadd.f32 v7, v4  }
0xfe: {  	v3 =	vadd.f32 v5, v3  }
0xff: {  	v4 =	vadd.f32 v4, v60  }
0x100: {  	v3 =	vadd.f32 v3, v60  }
0x101: {  	vm14 =	vge.f32 v4, $0.0e+00  }
0x102: {  	vm15 =	vge.f32 v3, $0.0e+00;
	v4 =	vsel vm14, $0x3F800000, v2  }
0x103: {  	v3 =	vsel vm15, $0x3F800000, v2;
	v62 =	vsub.f32 $1.000000000e+00, v4;
	[tilespmem:$0x1A200] =	vst v4  }
0x104: {  	v63 =	vsub.f32 $1.000000000e+00, v3;
	[tilespmem:$0x1A210] =	vst v3  }
0x105: {  	[tilespmem:$0x1A220] =	vst v62  }
0x106: {  	[tilespmem:$0x1A230] =	vst v63  }
0x107: {  	[hbm4b:s6+s4] =	stream.linear.scatter [tilespmem:s13], [sflag:$0x1], $0x20, $0x38;
	[tilespmem:$0x1A280] =	vst v63  }
0x108: {  	s15 =	sadd.s32 $0x1, s15;
	_ =	swait.ge [sflag:s9], $0x20  }
0x109: {  	p0 =	sne.s32 s15, s8;
	[sflag:s9] =	ssyncset.done $0x0  }
.Ltmp1:
0x10a: {  	[sflag:s9] =	ssyncadd.s32 $0xFFFFFFE0;
	(pc) =	sbr.rel @p0 .LBB2_1-.Ltmp1, $4  }
0x10b: {  	[hbm4b:s7+s4] =	stream.linear.scatter [tilespmem:s14], [sflag:$0x1], $0x20, $0x38;
	[tilespmem:$0x1A280] =	vst v63  }
0x10c: {  	_ =	swait.ge [sflag:s9], $0x20  }
0x10d: {  	[sflag:s9] =	ssyncset.done $0x0  }
0x10e: {  	[sflag:s9] =	ssyncadd.s32 $0xFFFFFFE0  }
0x10f: {  	_ =	sfence.sel $0x180000  }
0x110: {  	[bflag:$0x0] =	sbarrier.arrive $0xFFFF  }
0x111: {  	p0 =	sne.s32 s0, $0x0;
	_ =	strace $0x90000047  }
0x112: {  	s0 =	sadd.s32 @!p0 $0x100000, s1;
	[bflag:$0x2] =	sbarrier.arrive $0xFFFF  }
0x113: {  	[sflag:s0] =	ssyncadd.tile.s32 @!p0 $0x1;
	_ =	shalt  }
.Lfunc_end2:
_tile_overlayer_lowered:
.L_overlay_start_2:
0x114: {  	(tag) =	ssettag $0x2  }
0x115: {  	s0 =	rddreg [dreg:$0x0];
	s2 =	stileid.u32  }
0x116: {  	s1 =	rddreg [dreg:$0x1];
	p0 =	sne.s32 s2, $0x0  }
0x117: {  	s3 =	rddreg [dreg:$0x2];
	[bflag:$0x3] =	sbarrier.arrive $0xFFFF;
	s2 =	simm.s32 @!p0 $0x1C01  }
0x118: {  	[timem:s3], [sflag:s2] =	dma.local @!p0 [hbm:s0], s1  }
0x119: {  	s0 =	simm.s32 @!p0 $0x1  }
0x11a: {  	_ =	swait.ge @!p0 [sflag:s0], s1  }
0x11b: {  	s1 =	ssub.s32 @!p0 $0x0, s1;
	[sflag:s0] =	ssyncset.done @!p0 $0x0  }
0x11c: {  	[sflag:s0] =	ssyncadd.s32 @!p0 s1  }
0x11d: {  	[bflag:$0x3] =	sbarrier.arrive $0xFFFF  }
0x11e: {  	_ =	shalt  }

</sc_bundles>
